<compile_context>
chip_gen: v7x
topology: tpu7x:2x2x1
jax: 0.10.2.dev20260603
libtpu: 0.0.44.dev20260713+nightly
codegen_flags: <defaults>
</compile_context>

<pallas_src>
import functools

import jax
import jax.numpy as jnp
from jax import lax
from jax.experimental import pallas as pl
from jax.experimental.pallas import tpu as pltpu
from jax.experimental.pallas import tpu_sc as plsc

N_NODES_C = 10000
IN_CH_C = 128
OUT_CH_C = 128
NNZ_C = 160000

_NC = 2
_NS = 16
_NW = _NC * _NS

_PER_W = NNZ_C // _NW
_ROWS128 = 40
_PAD_W = _ROWS128 * 128
_FLAT = N_NODES_C * IN_CH_C
_STRIPE = _FLAT // _NS
_ZB = 8000


def _sc_body(rows_hbm, cols_hbm, vals_hbm, out0_hbm, out1_hbm,
             shared, rows_v, cols_v, vals_v, flat2, vals2, zbuf,
             sem_in, sem_z, sem_sc):
    c = lax.axis_index("c")
    s = lax.axis_index("s")
    w = c * _NS + s
    base = w * _PER_W

    d_in = [
        pltpu.async_copy(rows_hbm.at[pl.ds(base, _PER_W)],
                         rows_v.at[pl.ds(0, _PER_W)], sem_in),
        pltpu.async_copy(cols_hbm.at[pl.ds(base, _PER_W)],
                         cols_v.at[pl.ds(0, _PER_W)], sem_in),
        pltpu.async_copy(vals_hbm.at[pl.ds(base, _PER_W)],
                         vals_v.at[pl.ds(0, _PER_W)], sem_in),
    ]

    zero16 = jnp.zeros((16,), jnp.float32)

    def _zb_body(i, _):
        for u in range(4):
            zbuf[pl.ds(pl.multiple_of(i * 64 + u * 16, 16), 16)] = zero16
        return _

    lax.fori_loop(0, _ZB // 64, _zb_body, None)
    d_z = [
        pltpu.async_copy(zbuf, shared.at[pl.ds(s * _STRIPE + k * _ZB, _ZB)],
                         sem_z)
        for k in range(_STRIPE // _ZB)
    ]

    for d in d_in:
        d.wait()
    iota16 = lax.iota(jnp.int32, 16)

    def _cvt_body(j, _):
        for k in range(8):
            off = pl.multiple_of(j * 128 + k * 16, 16)
            r = rows_v[pl.ds(off, 16)]
            cc = cols_v[pl.ds(off, 16)]
            flat2[j, pl.ds(k * 16, 16)] = r * IN_CH_C + cc
            vals2[j, pl.ds(k * 16, 16)] = vals_v[pl.ds(off, 16)]
        return _

    lax.fori_loop(0, _ROWS128 - 1, _cvt_body, None)
    jt = _ROWS128 - 1

    def _tail_body(k, _):
        off = pl.multiple_of(jt * 128 + k * 16, 16)
        ok = (k * 16 + iota16) < (_PER_W - jt * 128)
        r = rows_v[pl.ds(off, 16)]
        cc = cols_v[pl.ds(off, 16)]
        v = vals_v[pl.ds(off, 16)]
        flat2[jt, pl.ds(k * 16, 16)] = jnp.where(ok, r * IN_CH_C + cc, 0)
        vals2[jt, pl.ds(k * 16, 16)] = jnp.where(ok, v, jnp.float32(0.0))
        return _

    lax.fori_loop(0, 8, _tail_body, None)

    for d in d_z:
        d.wait()

    plsc.subcore_barrier()

    _PRE = 4
    d_pre = [
        pltpu.async_copy(vals2.at[j], shared.at[flat2.at[j]], sem_sc,
                         add=True)
        for j in range(_PRE)
    ]

    def _sc_scatter(j, _):
        d = pltpu.async_copy(vals2.at[j], shared.at[flat2.at[j]], sem_sc,
                             add=True)
        d.wait()
        return _

    lax.fori_loop(_PRE, _ROWS128, _sc_scatter, None)
    for d in d_pre:
        d.wait()

    plsc.subcore_barrier()

    @pl.when(c == 0)
    def _():
        pltpu.sync_copy(shared.at[pl.ds(s * _STRIPE, _STRIPE)],
                        out0_hbm.at[pl.ds(s * _STRIPE, _STRIPE)])

    @pl.when(c == 1)
    def _():
        pltpu.sync_copy(shared.at[pl.ds(s * _STRIPE, _STRIPE)],
                        out1_hbm.at[pl.ds(s * _STRIPE, _STRIPE)])


_densify = functools.partial(
    pl.kernel,
    out_type=[jax.ShapeDtypeStruct((_FLAT,), jnp.float32),
              jax.ShapeDtypeStruct((_FLAT,), jnp.float32)],
    mesh=plsc.VectorSubcoreMesh(core_axis_name="c", subcore_axis_name="s"),
    scratch_types=[
        pltpu.VMEM_SHARED((_FLAT,), jnp.float32),
        pltpu.VMEM((_PAD_W,), jnp.int32),
        pltpu.VMEM((_PAD_W,), jnp.int32),
        pltpu.VMEM((_PAD_W,), jnp.float32),
        pltpu.VMEM((_ROWS128, 128), jnp.int32),
        pltpu.VMEM((_ROWS128, 128), jnp.float32),
        pltpu.VMEM((_ZB,), jnp.float32),
        pltpu.SemaphoreType.DMA,
        pltpu.SemaphoreType.DMA,
        pltpu.SemaphoreType.DMA,
    ],
)(_sc_body)


def _mm_body(s0_ref, s1_ref, w_ref, o_ref):
    a = s0_ref[...] + s1_ref[...]
    o_ref[...] = jnp.dot(a, w_ref[...], preferred_element_type=jnp.float32)


_ROW_BLK = 10000


def _matmul(s0, s1, weight):
    return pl.pallas_call(
        _mm_body,
        grid=(N_NODES_C // _ROW_BLK,),
        in_specs=[
            pl.BlockSpec((_ROW_BLK, IN_CH_C), lambda i: (i, 0)),
            pl.BlockSpec((_ROW_BLK, IN_CH_C), lambda i: (i, 0)),
            pl.BlockSpec((IN_CH_C, OUT_CH_C), lambda i: (0, 0)),
        ],
        out_specs=pl.BlockSpec((_ROW_BLK, OUT_CH_C), lambda i: (i, 0)),
        out_shape=jax.ShapeDtypeStruct((N_NODES_C, OUT_CH_C), jnp.float32),
    )(s0, s1, weight)


def kernel(adj_indices, adj_values, feat_rows, feat_cols, feat_values, weight):
    del adj_indices, adj_values
    p0, p1 = _densify(feat_rows.astype(jnp.int32), feat_cols.astype(jnp.int32),
                      feat_values)
    s0 = p0.reshape(N_NODES_C, IN_CH_C)
    s1 = p1.reshape(N_NODES_C, IN_CH_C)
    return _matmul(s0, s1, weight)

# --- scband reference (transcript-rebuilt; emitter-appended) ---
"""Pipeline reference for scband-sparse-gcnconv-89507118448761 (READ-ONLY COPY).

The authoritative reference and input builder live on the scoring server;
editing this copy changes nothing except your own understanding.
"""

import jax, jax.numpy as jnp
import numpy as np

N_NODES = 10000
N_EDGES = 320000
FEAT_NNZ = 160000
IN_CH = 128
OUT_CH = 128


def spmm(rows, cols, values, m, dense):
    # out[rows] += values * dense[cols]  (sparse [m, dense.shape[0]] @ dense)
    gathered = jnp.take(dense, cols, axis=0) * values[:, None]
    return jax.ops.segment_sum(gathered, rows, num_segments=m)


def setup_inputs(seed: int = 0) -> dict:
    key = jax.random.key(seed)
    k1, k2, k3, k4, k5, k6 = jax.random.split(key, 6)
    adj_indices = jax.random.randint(k1, (2, N_EDGES), 0, N_NODES)
    adj_values = jax.random.uniform(k2, (N_EDGES,), dtype=jnp.float32)
    feat_rows = jax.random.randint(k3, (FEAT_NNZ,), 0, N_NODES)
    feat_cols = jax.random.randint(k4, (FEAT_NNZ,), 0, IN_CH)
    feat_values = jax.random.uniform(k5, (FEAT_NNZ,), dtype=jnp.float32)
    # xavier_uniform init for weight_matrix [IN_CH, OUT_CH]
    limit = float(np.sqrt(6.0 / (IN_CH + OUT_CH)))
    weight = jax.random.uniform(k6, (IN_CH, OUT_CH), minval=-limit, maxval=limit, dtype=jnp.float32)
    return {
        "adj_indices": adj_indices,
        "adj_values": adj_values,
        "feat_rows": feat_rows,
        "feat_cols": feat_cols,
        "feat_values": feat_values,
        "weight": weight,
    }


def reference(adj_indices, adj_values, feat_rows, feat_cols, feat_values, weight):
    # base_features = spmm(features.indices, features.values, n_nodes, weight_matrix)
    base_features = spmm(feat_rows, feat_cols, feat_values, N_NODES, weight)
    # features = spmm(adj.indices, adj.values, base_features.shape[0], base_features)
    # NOTE: the original module computes this but returns base_features (faithful).
    features = spmm(adj_indices[0], adj_indices[1], adj_values, base_features.shape[0], base_features)
    return base_features

if __name__ == "__main__":
    import jax
    _d = setup_inputs()
    print(jax.jit(kernel)(*tuple(_d.values())))

</pallas_src>

<mosaic_0001>
#map = affine_map<(d0, d1) -> (0)>
module attributes {stable_mosaic.version = 14 : i64} {
  func.func @_sc_body(%arg0: i32, %arg1: i32, %arg2: memref<160000xi32, #tpu.memory_space<hbm>>, %arg3: memref<160000xi32, #tpu.memory_space<hbm>>, %arg4: memref<160000xf32, #tpu.memory_space<hbm>>, %arg5: memref<1280000xf32, #tpu.memory_space<hbm>>, %arg6: memref<1280000xf32, #tpu.memory_space<hbm>>, %arg7: memref<1280000xf32, #tpu.memory_space<vmem_shared>>, %arg8: memref<5120xi32, #tpu.memory_space<vmem>>, %arg9: memref<5120xi32, #tpu.memory_space<vmem>>, %arg10: memref<5120xf32, #tpu.memory_space<vmem>>, %arg11: memref<40x128xi32, #tpu.memory_space<vmem>>, %arg12: memref<40x128xf32, #tpu.memory_space<vmem>>, %arg13: memref<8000xf32, #tpu.memory_space<vmem>>, %arg14: memref<!tpu.dma_semaphore, #tpu.memory_space<semaphore_mem>>, %arg15: memref<!tpu.dma_semaphore, #tpu.memory_space<semaphore_mem>>, %arg16: memref<!tpu.dma_semaphore, #tpu.memory_space<semaphore_mem>>) attributes {dimension_semantics = [#tpu.dimension_semantics<core_parallel>, #tpu.dimension_semantics<subcore_parallel>], iteration_bounds = array<i64: 2, 16>, scalar_prefetch = 0 : i64, scratch_operands = 10 : i64, tpu.core_type = #tpu.core_type<sc_vector_subcore>, window_params = [{transform_indices = #map}, {transform_indices = #map}, {transform_indices = #map}, {transform_indices = #map}, {transform_indices = #map}]} {
    %mul3A = arith.constant 16 : i32
    %mul3A_0 = arith.muli %arg0, %mul3A : i32
    %add3A = arith.addi %mul3A_0, %arg1 : i32
    %mul3A_1 = arith.constant 5000 : i32
    %mul3A_2 = arith.muli %add3A, %mul3A_1 : i32
    %dma_start3A = arith.constant 0 : i32
    %dma_start3A_3 = tpu.memref_slice %arg8[%dma_start3A] : memref<5120xi32, #tpu.memory_space<vmem>> -> memref<5000xi32, #tpu.memory_space<vmem>>
    %dma_start3A_4 = tpu.memref_slice %arg2[%mul3A_2] : memref<160000xi32, #tpu.memory_space<hbm>> -> memref<5000xi32, #tpu.memory_space<hbm>>
    %dma_start3A_5 = arith.constant 0 : i32
    %dma_start3A_6 = tpu.memref_slice %arg8[%dma_start3A_5] : memref<5120xi32, #tpu.memory_space<vmem>> -> memref<5000xi32, #tpu.memory_space<vmem>>
    %dma_start3A_7 = tpu.memref_slice %arg2[%mul3A_2] : memref<160000xi32, #tpu.memory_space<hbm>> -> memref<5000xi32, #tpu.memory_space<hbm>>
    tpu.enqueue_dma source(%dma_start3A_7 : memref<5000xi32, #tpu.memory_space<hbm>>) target(%dma_start3A_6 : memref<5000xi32, #tpu.memory_space<vmem>>) target_semaphore(%arg14 : memref<!tpu.dma_semaphore, #tpu.memory_space<semaphore_mem>>)
    %dma_start3A_8 = arith.constant 0 : i32
    %dma_start3A_9 = tpu.memref_slice %arg9[%dma_start3A_8] : memref<5120xi32, #tpu.memory_space<vmem>> -> memref<5000xi32, #tpu.memory_space<vmem>>
    %dma_start3A_10 = tpu.memref_slice %arg3[%mul3A_2] : memref<160000xi32, #tpu.memory_space<hbm>> -> memref<5000xi32, #tpu.memory_space<hbm>>
    %dma_start3A_11 = arith.constant 0 : i32
    %dma_start3A_12 = tpu.memref_slice %arg9[%dma_start3A_11] : memref<5120xi32, #tpu.memory_space<vmem>> -> memref<5000xi32, #tpu.memory_space<vmem>>
    %dma_start3A_13 = tpu.memref_slice %arg3[%mul3A_2] : memref<160000xi32, #tpu.memory_space<hbm>> -> memref<5000xi32, #tpu.memory_space<hbm>>
    tpu.enqueue_dma source(%dma_start3A_13 : memref<5000xi32, #tpu.memory_space<hbm>>) target(%dma_start3A_12 : memref<5000xi32, #tpu.memory_space<vmem>>) target_semaphore(%arg14 : memref<!tpu.dma_semaphore, #tpu.memory_space<semaphore_mem>>)
    %dma_start3A_14 = arith.constant 0 : i32
    %dma_start3A_15 = tpu.memref_slice %arg10[%dma_start3A_14] : memref<5120xf32, #tpu.memory_space<vmem>> -> memref<5000xf32, #tpu.memory_space<vmem>>
    %dma_start3A_16 = tpu.memref_slice %arg4[%mul3A_2] : memref<160000xf32, #tpu.memory_space<hbm>> -> memref<5000xf32, #tpu.memory_space<hbm>>
    %dma_start3A_17 = arith.constant 0 : i32
    %dma_start3A_18 = tpu.memref_slice %arg10[%dma_start3A_17] : memref<5120xf32, #tpu.memory_space<vmem>> -> memref<5000xf32, #tpu.memory_space<vmem>>
    %dma_start3A_19 = tpu.memref_slice %arg4[%mul3A_2] : memref<160000xf32, #tpu.memory_space<hbm>> -> memref<5000xf32, #tpu.memory_space<hbm>>
    tpu.enqueue_dma source(%dma_start3A_19 : memref<5000xf32, #tpu.memory_space<hbm>>) target(%dma_start3A_18 : memref<5000xf32, #tpu.memory_space<vmem>>) target_semaphore(%arg14 : memref<!tpu.dma_semaphore, #tpu.memory_space<semaphore_mem>>)
    %broadcast_in_dim3A = arith.constant 0.000000e+00 : f32
    %broadcast_in_dim3A_20 = vector.broadcast %broadcast_in_dim3A : f32 to vector<16xf32>
    %scan3A = arith.constant 0 : i32
    %scan3A_21 = arith.constant 125 : i32
    %scan3A_22 = arith.addi %scan3A, %scan3A_21 : i32
    %scan3A_23 = arith.constant 1 : i32
    scf.for %scan3A_225 = %scan3A to %scan3A_22 step %scan3A_23  : i32 {
      %mul3A_226 = arith.constant 64 : i32
      %mul3A_227 = arith.muli %scan3A_225, %mul3A_226 : i32
      %add3A_228 = arith.constant 0 : i32
      %add3A_229 = arith.addi %mul3A_227, %add3A_228 : i32
      %multiple_of3A = tpu.assume_multiple %add3A_229, 16 : i32
      %swap3A = arith.index_cast %multiple_of3A : i32 to index
      %swap3A_230 = tpu.vector_load %arg13[%swap3A] {strides = array<i32>} : memref<8000xf32, #tpu.memory_space<vmem>>, vector<16xf32>,
      %swap3A_231 = vector.shape_cast %swap3A_230 : vector<16xf32> to vector<16xf32>
      %swap3A_232 = vector.shape_cast %broadcast_in_dim3A_20 : vector<16xf32> to vector<16xf32>
      tpu.vector_store %arg13[%swap3A], %swap3A_232 {strides = array<i32>} : memref<8000xf32, #tpu.memory_space<vmem>>, vector<16xf32>,
      %mul3A_233 = arith.constant 64 : i32
      %mul3A_234 = arith.muli %scan3A_225, %mul3A_233 : i32
      %add3A_235 = arith.constant 16 : i32
      %add3A_236 = arith.addi %mul3A_234, %add3A_235 : i32
      %multiple_of3A_237 = tpu.assume_multiple %add3A_236, 16 : i32
      %swap3A_238 = arith.index_cast %multiple_of3A_237 : i32 to index
      %swap3A_239 = tpu.vector_load %arg13[%swap3A_238] {strides = array<i32>} : memref<8000xf32, #tpu.memory_space<vmem>>, vector<16xf32>,
      %swap3A_240 = vector.shape_cast %swap3A_239 : vector<16xf32> to vector<16xf32>
      %swap3A_241 = vector.shape_cast %broadcast_in_dim3A_20 : vector<16xf32> to vector<16xf32>
      tpu.vector_store %arg13[%swap3A_238], %swap3A_241 {strides = array<i32>} : memref<8000xf32, #tpu.memory_space<vmem>>, vector<16xf32>,
      %mul3A_242 = arith.constant 64 : i32
      %mul3A_243 = arith.muli %scan3A_225, %mul3A_242 : i32
      %add3A_244 = arith.constant 32 : i32
      %add3A_245 = arith.addi %mul3A_243, %add3A_244 : i32
      %multiple_of3A_246 = tpu.assume_multiple %add3A_245, 16 : i32
      %swap3A_247 = arith.index_cast %multiple_of3A_246 : i32 to index
      %swap3A_248 = tpu.vector_load %arg13[%swap3A_247] {strides = array<i32>} : memref<8000xf32, #tpu.memory_space<vmem>>, vector<16xf32>,
      %swap3A_249 = vector.shape_cast %swap3A_248 : vector<16xf32> to vector<16xf32>
      %swap3A_250 = vector.shape_cast %broadcast_in_dim3A_20 : vector<16xf32> to vector<16xf32>
      tpu.vector_store %arg13[%swap3A_247], %swap3A_250 {strides = array<i32>} : memref<8000xf32, #tpu.memory_space<vmem>>, vector<16xf32>,
      %mul3A_251 = arith.constant 64 : i32
      %mul3A_252 = arith.muli %scan3A_225, %mul3A_251 : i32
      %add3A_253 = arith.constant 48 : i32
      %add3A_254 = arith.addi %mul3A_252, %add3A_253 : i32
      %multiple_of3A_255 = tpu.assume_multiple %add3A_254, 16 : i32
      %swap3A_256 = arith.index_cast %multiple_of3A_255 : i32 to index
      %swap3A_257 = tpu.vector_load %arg13[%swap3A_256] {strides = array<i32>} : memref<8000xf32, #tpu.memory_space<vmem>>, vector<16xf32>,
      %swap3A_258 = vector.shape_cast %swap3A_257 : vector<16xf32> to vector<16xf32>
      %swap3A_259 = vector.shape_cast %broadcast_in_dim3A_20 : vector<16xf32> to vector<16xf32>
      tpu.vector_store %arg13[%swap3A_256], %swap3A_259 {strides = array<i32>} : memref<8000xf32, #tpu.memory_space<vmem>>, vector<16xf32>,
    }
    %scan3A_24 = arith.constant 125 : i32
    %mul3A_25 = arith.constant 80000 : i32
    %mul3A_26 = arith.muli %arg1, %mul3A_25 : i32
    %add3A_27 = arith.constant 0 : i32
    %add3A_28 = arith.addi %mul3A_26, %add3A_27 : i32
    %dma_start3A_29 = tpu.memref_slice %arg7[%add3A_28] : memref<1280000xf32, #tpu.memory_space<vmem_shared>> -> memref<8000xf32, #tpu.memory_space<vmem_shared>>
    %dma_start3A_30 = tpu.memref_slice %arg7[%add3A_28] : memref<1280000xf32, #tpu.memory_space<vmem_shared>> -> memref<8000xf32, #tpu.memory_space<vmem_shared>>
    tpu.enqueue_dma source(%arg13 : memref<8000xf32, #tpu.memory_space<vmem>>) target(%dma_start3A_30 : memref<8000xf32, #tpu.memory_space<vmem_shared>>) target_semaphore(%arg15 : memref<!tpu.dma_semaphore, #tpu.memory_space<semaphore_mem>>)
    %mul3A_31 = arith.constant 80000 : i32
    %mul3A_32 = arith.muli %arg1, %mul3A_31 : i32
    %add3A_33 = arith.constant 8000 : i32
    %add3A_34 = arith.addi %mul3A_32, %add3A_33 : i32
    %dma_start3A_35 = tpu.memref_slice %arg7[%add3A_34] : memref<1280000xf32, #tpu.memory_space<vmem_shared>> -> memref<8000xf32, #tpu.memory_space<vmem_shared>>
    %dma_start3A_36 = tpu.memref_slice %arg7[%add3A_34] : memref<1280000xf32, #tpu.memory_space<vmem_shared>> -> memref<8000xf32, #tpu.memory_space<vmem_shared>>
    tpu.enqueue_dma source(%arg13 : memref<8000xf32, #tpu.memory_space<vmem>>) target(%dma_start3A_36 : memref<8000xf32, #tpu.memory_space<vmem_shared>>) target_semaphore(%arg15 : memref<!tpu.dma_semaphore, #tpu.memory_space<semaphore_mem>>)
    %mul3A_37 = arith.constant 80000 : i32
    %mul3A_38 = arith.muli %arg1, %mul3A_37 : i32
    %add3A_39 = arith.constant 16000 : i32
    %add3A_40 = arith.addi %mul3A_38, %add3A_39 : i32
    %dma_start3A_41 = tpu.memref_slice %arg7[%add3A_40] : memref<1280000xf32, #tpu.memory_space<vmem_shared>> -> memref<8000xf32, #tpu.memory_space<vmem_shared>>
    %dma_start3A_42 = tpu.memref_slice %arg7[%add3A_40] : memref<1280000xf32, #tpu.memory_space<vmem_shared>> -> memref<8000xf32, #tpu.memory_space<vmem_shared>>
    tpu.enqueue_dma source(%arg13 : memref<8000xf32, #tpu.memory_space<vmem>>) target(%dma_start3A_42 : memref<8000xf32, #tpu.memory_space<vmem_shared>>) target_semaphore(%arg15 : memref<!tpu.dma_semaphore, #tpu.memory_space<semaphore_mem>>)
    %mul3A_43 = arith.constant 80000 : i32
    %mul3A_44 = arith.muli %arg1, %mul3A_43 : i32
    %add3A_45 = arith.constant 24000 : i32
    %add3A_46 = arith.addi %mul3A_44, %add3A_45 : i32
    %dma_start3A_47 = tpu.memref_slice %arg7[%add3A_46] : memref<1280000xf32, #tpu.memory_space<vmem_shared>> -> memref<8000xf32, #tpu.memory_space<vmem_shared>>
    %dma_start3A_48 = tpu.memref_slice %arg7[%add3A_46] : memref<1280000xf32, #tpu.memory_space<vmem_shared>> -> memref<8000xf32, #tpu.memory_space<vmem_shared>>
    tpu.enqueue_dma source(%arg13 : memref<8000xf32, #tpu.memory_space<vmem>>) target(%dma_start3A_48 : memref<8000xf32, #tpu.memory_space<vmem_shared>>) target_semaphore(%arg15 : memref<!tpu.dma_semaphore, #tpu.memory_space<semaphore_mem>>)
    %mul3A_49 = arith.constant 80000 : i32
    %mul3A_50 = arith.muli %arg1, %mul3A_49 : i32
    %add3A_51 = arith.constant 32000 : i32
    %add3A_52 = arith.addi %mul3A_50, %add3A_51 : i32
    %dma_start3A_53 = tpu.memref_slice %arg7[%add3A_52] : memref<1280000xf32, #tpu.memory_space<vmem_shared>> -> memref<8000xf32, #tpu.memory_space<vmem_shared>>
    %dma_start3A_54 = tpu.memref_slice %arg7[%add3A_52] : memref<1280000xf32, #tpu.memory_space<vmem_shared>> -> memref<8000xf32, #tpu.memory_space<vmem_shared>>
    tpu.enqueue_dma source(%arg13 : memref<8000xf32, #tpu.memory_space<vmem>>) target(%dma_start3A_54 : memref<8000xf32, #tpu.memory_space<vmem_shared>>) target_semaphore(%arg15 : memref<!tpu.dma_semaphore, #tpu.memory_space<semaphore_mem>>)
    %mul3A_55 = arith.constant 80000 : i32
    %mul3A_56 = arith.muli %arg1, %mul3A_55 : i32
    %add3A_57 = arith.constant 40000 : i32
    %add3A_58 = arith.addi %mul3A_56, %add3A_57 : i32
    %dma_start3A_59 = tpu.memref_slice %arg7[%add3A_58] : memref<1280000xf32, #tpu.memory_space<vmem_shared>> -> memref<8000xf32, #tpu.memory_space<vmem_shared>>
    %dma_start3A_60 = tpu.memref_slice %arg7[%add3A_58] : memref<1280000xf32, #tpu.memory_space<vmem_shared>> -> memref<8000xf32, #tpu.memory_space<vmem_shared>>
    tpu.enqueue_dma source(%arg13 : memref<8000xf32, #tpu.memory_space<vmem>>) target(%dma_start3A_60 : memref<8000xf32, #tpu.memory_space<vmem_shared>>) target_semaphore(%arg15 : memref<!tpu.dma_semaphore, #tpu.memory_space<semaphore_mem>>)
    %mul3A_61 = arith.constant 80000 : i32
    %mul3A_62 = arith.muli %arg1, %mul3A_61 : i32
    %add3A_63 = arith.constant 48000 : i32
    %add3A_64 = arith.addi %mul3A_62, %add3A_63 : i32
    %dma_start3A_65 = tpu.memref_slice %arg7[%add3A_64] : memref<1280000xf32, #tpu.memory_space<vmem_shared>> -> memref<8000xf32, #tpu.memory_space<vmem_shared>>
    %dma_start3A_66 = tpu.memref_slice %arg7[%add3A_64] : memref<1280000xf32, #tpu.memory_space<vmem_shared>> -> memref<8000xf32, #tpu.memory_space<vmem_shared>>
    tpu.enqueue_dma source(%arg13 : memref<8000xf32, #tpu.memory_space<vmem>>) target(%dma_start3A_66 : memref<8000xf32, #tpu.memory_space<vmem_shared>>) target_semaphore(%arg15 : memref<!tpu.dma_semaphore, #tpu.memory_space<semaphore_mem>>)
    %mul3A_67 = arith.constant 80000 : i32
    %mul3A_68 = arith.muli %arg1, %mul3A_67 : i32
    %add3A_69 = arith.constant 56000 : i32
    %add3A_70 = arith.addi %mul3A_68, %add3A_69 : i32
    %dma_start3A_71 = tpu.memref_slice %arg7[%add3A_70] : memref<1280000xf32, #tpu.memory_space<vmem_shared>> -> memref<8000xf32, #tpu.memory_space<vmem_shared>>
    %dma_start3A_72 = tpu.memref_slice %arg7[%add3A_70] : memref<1280000xf32, #tpu.memory_space<vmem_shared>> -> memref<8000xf32, #tpu.memory_space<vmem_shared>>
    tpu.enqueue_dma source(%arg13 : memref<8000xf32, #tpu.memory_space<vmem>>) target(%dma_start3A_72 : memref<8000xf32, #tpu.memory_space<vmem_shared>>) target_semaphore(%arg15 : memref<!tpu.dma_semaphore, #tpu.memory_space<semaphore_mem>>)
    %mul3A_73 = arith.constant 80000 : i32
    %mul3A_74 = arith.muli %arg1, %mul3A_73 : i32
    %add3A_75 = arith.constant 64000 : i32
    %add3A_76 = arith.addi %mul3A_74, %add3A_75 : i32
    %dma_start3A_77 = tpu.memref_slice %arg7[%add3A_76] : memref<1280000xf32, #tpu.memory_space<vmem_shared>> -> memref<8000xf32, #tpu.memory_space<vmem_shared>>
    %dma_start3A_78 = tpu.memref_slice %arg7[%add3A_76] : memref<1280000xf32, #tpu.memory_space<vmem_shared>> -> memref<8000xf32, #tpu.memory_space<vmem_shared>>
    tpu.enqueue_dma source(%arg13 : memref<8000xf32, #tpu.memory_space<vmem>>) target(%dma_start3A_78 : memref<8000xf32, #tpu.memory_space<vmem_shared>>) target_semaphore(%arg15 : memref<!tpu.dma_semaphore, #tpu.memory_space<semaphore_mem>>)
    %mul3A_79 = arith.constant 80000 : i32
    %mul3A_80 = arith.muli %arg1, %mul3A_79 : i32
    %add3A_81 = arith.constant 72000 : i32
    %add3A_82 = arith.addi %mul3A_80, %add3A_81 : i32
    %dma_start3A_83 = tpu.memref_slice %arg7[%add3A_82] : memref<1280000xf32, #tpu.memory_space<vmem_shared>> -> memref<8000xf32, #tpu.memory_space<vmem_shared>>
    %dma_start3A_84 = tpu.memref_slice %arg7[%add3A_82] : memref<1280000xf32, #tpu.memory_space<vmem_shared>> -> memref<8000xf32, #tpu.memory_space<vmem_shared>>
    tpu.enqueue_dma source(%arg13 : memref<8000xf32, #tpu.memory_space<vmem>>) target(%dma_start3A_84 : memref<8000xf32, #tpu.memory_space<vmem_shared>>) target_semaphore(%arg15 : memref<!tpu.dma_semaphore, #tpu.memory_space<semaphore_mem>>)
    %dma_wait3A = arith.constant 0 : i32
    %dma_wait3A_85 = tpu.memref_slice %arg8[%dma_wait3A] : memref<5120xi32, #tpu.memory_space<vmem>> -> memref<5000xi32, #tpu.memory_space<vmem>>
    %dma_wait3A_86 = tpu.memref_slice %arg2[%mul3A_2] : memref<160000xi32, #tpu.memory_space<hbm>> -> memref<5000xi32, #tpu.memory_space<hbm>>
    %dma_wait3A_87 = arith.constant 0 : i32
    %dma_wait3A_88 = tpu.memref_slice %arg8[%dma_wait3A_87] : memref<5120xi32, #tpu.memory_space<vmem>> -> memref<5000xi32, #tpu.memory_space<vmem>>
    %dma_wait3A_89 = tpu.memref_slice %arg2[%mul3A_2] : memref<160000xi32, #tpu.memory_space<hbm>> -> memref<5000xi32, #tpu.memory_space<hbm>>
    tpu.wait_dma2 semaphore(%arg14 : memref<!tpu.dma_semaphore, #tpu.memory_space<semaphore_mem>>) src(%dma_wait3A_89 : memref<5000xi32, #tpu.memory_space<hbm>>) dst(%dma_wait3A_88 : memref<5000xi32, #tpu.memory_space<vmem>>)
    %dma_wait3A_90 = arith.constant 0 : i32
    %dma_wait3A_91 = tpu.memref_slice %arg9[%dma_wait3A_90] : memref<5120xi32, #tpu.memory_space<vmem>> -> memref<5000xi32, #tpu.memory_space<vmem>>
    %dma_wait3A_92 = tpu.memref_slice %arg3[%mul3A_2] : memref<160000xi32, #tpu.memory_space<hbm>> -> memref<5000xi32, #tpu.memory_space<hbm>>
    %dma_wait3A_93 = arith.constant 0 : i32
    %dma_wait3A_94 = tpu.memref_slice %arg9[%dma_wait3A_93] : memref<5120xi32, #tpu.memory_space<vmem>> -> memref<5000xi32, #tpu.memory_space<vmem>>
    %dma_wait3A_95 = tpu.memref_slice %arg3[%mul3A_2] : memref<160000xi32, #tpu.memory_space<hbm>> -> memref<5000xi32, #tpu.memory_space<hbm>>
    tpu.wait_dma2 semaphore(%arg14 : memref<!tpu.dma_semaphore, #tpu.memory_space<semaphore_mem>>) src(%dma_wait3A_95 : memref<5000xi32, #tpu.memory_space<hbm>>) dst(%dma_wait3A_94 : memref<5000xi32, #tpu.memory_space<vmem>>)
    %dma_wait3A_96 = arith.constant 0 : i32
    %dma_wait3A_97 = tpu.memref_slice %arg10[%dma_wait3A_96] : memref<5120xf32, #tpu.memory_space<vmem>> -> memref<5000xf32, #tpu.memory_space<vmem>>
    %dma_wait3A_98 = tpu.memref_slice %arg4[%mul3A_2] : memref<160000xf32, #tpu.memory_space<hbm>> -> memref<5000xf32, #tpu.memory_space<hbm>>
    %dma_wait3A_99 = arith.constant 0 : i32
    %dma_wait3A_100 = tpu.memref_slice %arg10[%dma_wait3A_99] : memref<5120xf32, #tpu.memory_space<vmem>> -> memref<5000xf32, #tpu.memory_space<vmem>>
    %dma_wait3A_101 = tpu.memref_slice %arg4[%mul3A_2] : memref<160000xf32, #tpu.memory_space<hbm>> -> memref<5000xf32, #tpu.memory_space<hbm>>
    tpu.wait_dma2 semaphore(%arg14 : memref<!tpu.dma_semaphore, #tpu.memory_space<semaphore_mem>>) src(%dma_wait3A_101 : memref<5000xf32, #tpu.memory_space<hbm>>) dst(%dma_wait3A_100 : memref<5000xf32, #tpu.memory_space<vmem>>)
    %iota3A = tpu.iota {dimensions = array<i32: 0>} : vector<16xi32>
    %scan3A_102 = arith.constant 0 : i32
    %scan3A_103 = arith.constant 39 : i32
    %scan3A_104 = arith.addi %scan3A_102, %scan3A_103 : i32
    %scan3A_105 = arith.constant 1 : i32
    scf.for %scan3A_225 = %scan3A_102 to %scan3A_104 step %scan3A_105  : i32 {
      %mul3A_226 = arith.constant 128 : i32
      %mul3A_227 = arith.muli %scan3A_225, %mul3A_226 : i32
      %add3A_228 = arith.constant 0 : i32
      %add3A_229 = arith.addi %mul3A_227, %add3A_228 : i32
      %multiple_of3A = tpu.assume_multiple %add3A_229, 16 : i32
      %get3A = arith.index_cast %multiple_of3A : i32 to index
      %get3A_230 = tpu.vector_load %arg8[%get3A] {strides = array<i32>} : memref<5120xi32, #tpu.memory_space<vmem>>, vector<16xi32>,
      %get3A_231 = vector.shape_cast %get3A_230 : vector<16xi32> to vector<16xi32>
      %get3A_232 = arith.index_cast %multiple_of3A : i32 to index
      %get3A_233 = tpu.vector_load %arg9[%get3A_232] {strides = array<i32>} : memref<5120xi32, #tpu.memory_space<vmem>>, vector<16xi32>,
      %get3A_234 = vector.shape_cast %get3A_233 : vector<16xi32> to vector<16xi32>
      %mul3A_235 = arith.constant 128 : i32
      %mul3A_236 = vector.broadcast %mul3A_235 : i32 to vector<16xi32>
      %mul3A_237 = arith.muli %get3A_231, %mul3A_236 : vector<16xi32>
      %add3A_238 = arith.addi %mul3A_237, %get3A_234 : vector<16xi32>
      %swap3A = arith.index_cast %scan3A_225 : i32 to index
      %swap3A_239 = arith.constant 0 : index
      %swap3A_240 = tpu.vector_load %arg11[%swap3A, %swap3A_239] {strides = array<i32>} : memref<40x128xi32, #tpu.memory_space<vmem>>, vector<1x16xi32>,
      %swap3A_241 = vector.shape_cast %swap3A_240 : vector<1x16xi32> to vector<16xi32>
      %swap3A_242 = vector.shape_cast %add3A_238 : vector<16xi32> to vector<1x16xi32>
      tpu.vector_store %arg11[%swap3A, %swap3A_239], %swap3A_242 {strides = array<i32>} : memref<40x128xi32, #tpu.memory_space<vmem>>, vector<1x16xi32>,
      %get3A_243 = arith.index_cast %multiple_of3A : i32 to index
      %get3A_244 = tpu.vector_load %arg10[%get3A_243] {strides = array<i32>} : memref<5120xf32, #tpu.memory_space<vmem>>, vector<16xf32>,
      %get3A_245 = vector.shape_cast %get3A_244 : vector<16xf32> to vector<16xf32>
      %swap3A_246 = arith.index_cast %scan3A_225 : i32 to index
      %swap3A_247 = arith.constant 0 : index
      %swap3A_248 = tpu.vector_load %arg12[%swap3A_246, %swap3A_247] {strides = array<i32>} : memref<40x128xf32, #tpu.memory_space<vmem>>, vector<1x16xf32>,
      %swap3A_249 = vector.shape_cast %swap3A_248 : vector<1x16xf32> to vector<16xf32>
      %swap3A_250 = vector.shape_cast %get3A_245 : vector<16xf32> to vector<1x16xf32>
      tpu.vector_store %arg12[%swap3A_246, %swap3A_247], %swap3A_250 {strides = array<i32>} : memref<40x128xf32, #tpu.memory_space<vmem>>, vector<1x16xf32>,
      %mul3A_251 = arith.constant 128 : i32
      %mul3A_252 = arith.muli %scan3A_225, %mul3A_251 : i32
      %add3A_253 = arith.constant 16 : i32
      %add3A_254 = arith.addi %mul3A_252, %add3A_253 : i32
      %multiple_of3A_255 = tpu.assume_multiple %add3A_254, 16 : i32
      %get3A_256 = arith.index_cast %multiple_of3A_255 : i32 to index
      %get3A_257 = tpu.vector_load %arg8[%get3A_256] {strides = array<i32>} : memref<5120xi32, #tpu.memory_space<vmem>>, vector<16xi32>,
      %get3A_258 = vector.shape_cast %get3A_257 : vector<16xi32> to vector<16xi32>
      %get3A_259 = arith.index_cast %multiple_of3A_255 : i32 to index
      %get3A_260 = tpu.vector_load %arg9[%get3A_259] {strides = array<i32>} : memref<5120xi32, #tpu.memory_space<vmem>>, vector<16xi32>,
      %get3A_261 = vector.shape_cast %get3A_260 : vector<16xi32> to vector<16xi32>
      %mul3A_262 = arith.constant 128 : i32
      %mul3A_263 = vector.broadcast %mul3A_262 : i32 to vector<16xi32>
      %mul3A_264 = arith.muli %get3A_258, %mul3A_263 : vector<16xi32>
      %add3A_265 = arith.addi %mul3A_264, %get3A_261 : vector<16xi32>
      %swap3A_266 = arith.index_cast %scan3A_225 : i32 to index
      %swap3A_267 = arith.constant 16 : index
      %swap3A_268 = tpu.vector_load %arg11[%swap3A_266, %swap3A_267] {strides = array<i32>} : memref<40x128xi32, #tpu.memory_space<vmem>>, vector<1x16xi32>,
      %swap3A_269 = vector.shape_cast %swap3A_268 : vector<1x16xi32> to vector<16xi32>
      %swap3A_270 = vector.shape_cast %add3A_265 : vector<16xi32> to vector<1x16xi32>
      tpu.vector_store %arg11[%swap3A_266, %swap3A_267], %swap3A_270 {strides = array<i32>} : memref<40x128xi32, #tpu.memory_space<vmem>>, vector<1x16xi32>,
      %get3A_271 = arith.index_cast %multiple_of3A_255 : i32 to index
      %get3A_272 = tpu.vector_load %arg10[%get3A_271] {strides = array<i32>} : memref<5120xf32, #tpu.memory_space<vmem>>, vector<16xf32>,
      %get3A_273 = vector.shape_cast %get3A_272 : vector<16xf32> to vector<16xf32>
      %swap3A_274 = arith.index_cast %scan3A_225 : i32 to index
      %swap3A_275 = arith.constant 16 : index
      %swap3A_276 = tpu.vector_load %arg12[%swap3A_274, %swap3A_275] {strides = array<i32>} : memref<40x128xf32, #tpu.memory_space<vmem>>, vector<1x16xf32>,
      %swap3A_277 = vector.shape_cast %swap3A_276 : vector<1x16xf32> to vector<16xf32>
      %swap3A_278 = vector.shape_cast %get3A_273 : vector<16xf32> to vector<1x16xf32>
      tpu.vector_store %arg12[%swap3A_274, %swap3A_275], %swap3A_278 {strides = array<i32>} : memref<40x128xf32, #tpu.memory_space<vmem>>, vector<1x16xf32>,
      %mul3A_279 = arith.constant 128 : i32
      %mul3A_280 = arith.muli %scan3A_225, %mul3A_279 : i32
      %add3A_281 = arith.constant 32 : i32
      %add3A_282 = arith.addi %mul3A_280, %add3A_281 : i32
      %multiple_of3A_283 = tpu.assume_multiple %add3A_282, 16 : i32
      %get3A_284 = arith.index_cast %multiple_of3A_283 : i32 to index
      %get3A_285 = tpu.vector_load %arg8[%get3A_284] {strides = array<i32>} : memref<5120xi32, #tpu.memory_space<vmem>>, vector<16xi32>,
      %get3A_286 = vector.shape_cast %get3A_285 : vector<16xi32> to vector<16xi32>
      %get3A_287 = arith.index_cast %multiple_of3A_283 : i32 to index
      %get3A_288 = tpu.vector_load %arg9[%get3A_287] {strides = array<i32>} : memref<5120xi32, #tpu.memory_space<vmem>>, vector<16xi32>,
      %get3A_289 = vector.shape_cast %get3A_288 : vector<16xi32> to vector<16xi32>
      %mul3A_290 = arith.constant 128 : i32
      %mul3A_291 = vector.broadcast %mul3A_290 : i32 to vector<16xi32>
      %mul3A_292 = arith.muli %get3A_286, %mul3A_291 : vector<16xi32>
      %add3A_293 = arith.addi %mul3A_292, %get3A_289 : vector<16xi32>
      %swap3A_294 = arith.index_cast %scan3A_225 : i32 to index
      %swap3A_295 = arith.constant 32 : index
      %swap3A_296 = tpu.vector_load %arg11[%swap3A_294, %swap3A_295] {strides = array<i32>} : memref<40x128xi32, #tpu.memory_space<vmem>>, vector<1x16xi32>,
      %swap3A_297 = vector.shape_cast %swap3A_296 : vector<1x16xi32> to vector<16xi32>
      %swap3A_298 = vector.shape_cast %add3A_293 : vector<16xi32> to vector<1x16xi32>
      tpu.vector_store %arg11[%swap3A_294, %swap3A_295], %swap3A_298 {strides = array<i32>} : memref<40x128xi32, #tpu.memory_space<vmem>>, vector<1x16xi32>,
      %get3A_299 = arith.index_cast %multiple_of3A_283 : i32 to index
      %get3A_300 = tpu.vector_load %arg10[%get3A_299] {strides = array<i32>} : memref<5120xf32, #tpu.memory_space<vmem>>, vector<16xf32>,
      %get3A_301 = vector.shape_cast %get3A_300 : vector<16xf32> to vector<16xf32>
      %swap3A_302 = arith.index_cast %scan3A_225 : i32 to index
      %swap3A_303 = arith.constant 32 : index
      %swap3A_304 = tpu.vector_load %arg12[%swap3A_302, %swap3A_303] {strides = array<i32>} : memref<40x128xf32, #tpu.memory_space<vmem>>, vector<1x16xf32>,
      %swap3A_305 = vector.shape_cast %swap3A_304 : vector<1x16xf32> to vector<16xf32>
      %swap3A_306 = vector.shape_cast %get3A_301 : vector<16xf32> to vector<1x16xf32>
      tpu.vector_store %arg12[%swap3A_302, %swap3A_303], %swap3A_306 {strides = array<i32>} : memref<40x128xf32, #tpu.memory_space<vmem>>, vector<1x16xf32>,
      %mul3A_307 = arith.constant 128 : i32
      %mul3A_308 = arith.muli %scan3A_225, %mul3A_307 : i32
      %add3A_309 = arith.constant 48 : i32
      %add3A_310 = arith.addi %mul3A_308, %add3A_309 : i32
      %multiple_of3A_311 = tpu.assume_multiple %add3A_310, 16 : i32
      %get3A_312 = arith.index_cast %multiple_of3A_311 : i32 to index
      %get3A_313 = tpu.vector_load %arg8[%get3A_312] {strides = array<i32>} : memref<5120xi32, #tpu.memory_space<vmem>>, vector<16xi32>,
      %get3A_314 = vector.shape_cast %get3A_313 : vector<16xi32> to vector<16xi32>
      %get3A_315 = arith.index_cast %multiple_of3A_311 : i32 to index
      %get3A_316 = tpu.vector_load %arg9[%get3A_315] {strides = array<i32>} : memref<5120xi32, #tpu.memory_space<vmem>>, vector<16xi32>,
      %get3A_317 = vector.shape_cast %get3A_316 : vector<16xi32> to vector<16xi32>
      %mul3A_318 = arith.constant 128 : i32
      %mul3A_319 = vector.broadcast %mul3A_318 : i32 to vector<16xi32>
      %mul3A_320 = arith.muli %get3A_314, %mul3A_319 : vector<16xi32>
      %add3A_321 = arith.addi %mul3A_320, %get3A_317 : vector<16xi32>
      %swap3A_322 = arith.index_cast %scan3A_225 : i32 to index
      %swap3A_323 = arith.constant 48 : index
      %swap3A_324 = tpu.vector_load %arg11[%swap3A_322, %swap3A_323] {strides = array<i32>} : memref<40x128xi32, #tpu.memory_space<vmem>>, vector<1x16xi32>,
      %swap3A_325 = vector.shape_cast %swap3A_324 : vector<1x16xi32> to vector<16xi32>
      %swap3A_326 = vector.shape_cast %add3A_321 : vector<16xi32> to vector<1x16xi32>
      tpu.vector_store %arg11[%swap3A_322, %swap3A_323], %swap3A_326 {strides = array<i32>} : memref<40x128xi32, #tpu.memory_space<vmem>>, vector<1x16xi32>,
      %get3A_327 = arith.index_cast %multiple_of3A_311 : i32 to index
      %get3A_328 = tpu.vector_load %arg10[%get3A_327] {strides = array<i32>} : memref<5120xf32, #tpu.memory_space<vmem>>, vector<16xf32>,
      %get3A_329 = vector.shape_cast %get3A_328 : vector<16xf32> to vector<16xf32>
      %swap3A_330 = arith.index_cast %scan3A_225 : i32 to index
      %swap3A_331 = arith.constant 48 : index
      %swap3A_332 = tpu.vector_load %arg12[%swap3A_330, %swap3A_331] {strides = array<i32>} : memref<40x128xf32, #tpu.memory_space<vmem>>, vector<1x16xf32>,
      %swap3A_333 = vector.shape_cast %swap3A_332 : vector<1x16xf32> to vector<16xf32>
      %swap3A_334 = vector.shape_cast %get3A_329 : vector<16xf32> to vector<1x16xf32>
      tpu.vector_store %arg12[%swap3A_330, %swap3A_331], %swap3A_334 {strides = array<i32>} : memref<40x128xf32, #tpu.memory_space<vmem>>, vector<1x16xf32>,
      %mul3A_335 = arith.constant 128 : i32
      %mul3A_336 = arith.muli %scan3A_225, %mul3A_335 : i32
      %add3A_337 = arith.constant 64 : i32
      %add3A_338 = arith.addi %mul3A_336, %add3A_337 : i32
      %multiple_of3A_339 = tpu.assume_multiple %add3A_338, 16 : i32
      %get3A_340 = arith.index_cast %multiple_of3A_339 : i32 to index
      %get3A_341 = tpu.vector_load %arg8[%get3A_340] {strides = array<i32>} : memref<5120xi32, #tpu.memory_space<vmem>>, vector<16xi32>,
      %get3A_342 = vector.shape_cast %get3A_341 : vector<16xi32> to vector<16xi32>
      %get3A_343 = arith.index_cast %multiple_of3A_339 : i32 to index
      %get3A_344 = tpu.vector_load %arg9[%get3A_343] {strides = array<i32>} : memref<5120xi32, #tpu.memory_space<vmem>>, vector<16xi32>,
      %get3A_345 = vector.shape_cast %get3A_344 : vector<16xi32> to vector<16xi32>
      %mul3A_346 = arith.constant 128 : i32
      %mul3A_347 = vector.broadcast %mul3A_346 : i32 to vector<16xi32>
      %mul3A_348 = arith.muli %get3A_342, %mul3A_347 : vector<16xi32>
      %add3A_349 = arith.addi %mul3A_348, %get3A_345 : vector<16xi32>
      %swap3A_350 = arith.index_cast %scan3A_225 : i32 to index
      %swap3A_351 = arith.constant 64 : index
      %swap3A_352 = tpu.vector_load %arg11[%swap3A_350, %swap3A_351] {strides = array<i32>} : memref<40x128xi32, #tpu.memory_space<vmem>>, vector<1x16xi32>,
      %swap3A_353 = vector.shape_cast %swap3A_352 : vector<1x16xi32> to vector<16xi32>
      %swap3A_354 = vector.shape_cast %add3A_349 : vector<16xi32> to vector<1x16xi32>
      tpu.vector_store %arg11[%swap3A_350, %swap3A_351], %swap3A_354 {strides = array<i32>} : memref<40x128xi32, #tpu.memory_space<vmem>>, vector<1x16xi32>,
      %get3A_355 = arith.index_cast %multiple_of3A_339 : i32 to index
      %get3A_356 = tpu.vector_load %arg10[%get3A_355] {strides = array<i32>} : memref<5120xf32, #tpu.memory_space<vmem>>, vector<16xf32>,
      %get3A_357 = vector.shape_cast %get3A_356 : vector<16xf32> to vector<16xf32>
      %swap3A_358 = arith.index_cast %scan3A_225 : i32 to index
      %swap3A_359 = arith.constant 64 : index
      %swap3A_360 = tpu.vector_load %arg12[%swap3A_358, %swap3A_359] {strides = array<i32>} : memref<40x128xf32, #tpu.memory_space<vmem>>, vector<1x16xf32>,
      %swap3A_361 = vector.shape_cast %swap3A_360 : vector<1x16xf32> to vector<16xf32>
      %swap3A_362 = vector.shape_cast %get3A_357 : vector<16xf32> to vector<1x16xf32>
      tpu.vector_store %arg12[%swap3A_358, %swap3A_359], %swap3A_362 {strides = array<i32>} : memref<40x128xf32, #tpu.memory_space<vmem>>, vector<1x16xf32>,
      %mul3A_363 = arith.constant 128 : i32
      %mul3A_364 = arith.muli %scan3A_225, %mul3A_363 : i32
      %add3A_365 = arith.constant 80 : i32
      %add3A_366 = arith.addi %mul3A_364, %add3A_365 : i32
      %multiple_of3A_367 = tpu.assume_multiple %add3A_366, 16 : i32
      %get3A_368 = arith.index_cast %multiple_of3A_367 : i32 to index
      %get3A_369 = tpu.vector_load %arg8[%get3A_368] {strides = array<i32>} : memref<5120xi32, #tpu.memory_space<vmem>>, vector<16xi32>,
      %get3A_370 = vector.shape_cast %get3A_369 : vector<16xi32> to vector<16xi32>
      %get3A_371 = arith.index_cast %multiple_of3A_367 : i32 to index
      %get3A_372 = tpu.vector_load %arg9[%get3A_371] {strides = array<i32>} : memref<5120xi32, #tpu.memory_space<vmem>>, vector<16xi32>,
      %get3A_373 = vector.shape_cast %get3A_372 : vector<16xi32> to vector<16xi32>
      %mul3A_374 = arith.constant 128 : i32
      %mul3A_375 = vector.broadcast %mul3A_374 : i32 to vector<16xi32>
      %mul3A_376 = arith.muli %get3A_370, %mul3A_375 : vector<16xi32>
      %add3A_377 = arith.addi %mul3A_376, %get3A_373 : vector<16xi32>
      %swap3A_378 = arith.index_cast %scan3A_225 : i32 to index
      %swap3A_379 = arith.constant 80 : index
      %swap3A_380 = tpu.vector_load %arg11[%swap3A_378, %swap3A_379] {strides = array<i32>} : memref<40x128xi32, #tpu.memory_space<vmem>>, vector<1x16xi32>,
      %swap3A_381 = vector.shape_cast %swap3A_380 : vector<1x16xi32> to vector<16xi32>
      %swap3A_382 = vector.shape_cast %add3A_377 : vector<16xi32> to vector<1x16xi32>
      tpu.vector_store %arg11[%swap3A_378, %swap3A_379], %swap3A_382 {strides = array<i32>} : memref<40x128xi32, #tpu.memory_space<vmem>>, vector<1x16xi32>,
      %get3A_383 = arith.index_cast %multiple_of3A_367 : i32 to index
      %get3A_384 = tpu.vector_load %arg10[%get3A_383] {strides = array<i32>} : memref<5120xf32, #tpu.memory_space<vmem>>, vector<16xf32>,
      %get3A_385 = vector.shape_cast %get3A_384 : vector<16xf32> to vector<16xf32>
      %swap3A_386 = arith.index_cast %scan3A_225 : i32 to index
      %swap3A_387 = arith.constant 80 : index
      %swap3A_388 = tpu.vector_load %arg12[%swap3A_386, %swap3A_387] {strides = array<i32>} : memref<40x128xf32, #tpu.memory_space<vmem>>, vector<1x16xf32>,
      %swap3A_389 = vector.shape_cast %swap3A_388 : vector<1x16xf32> to vector<16xf32>
      %swap3A_390 = vector.shape_cast %get3A_385 : vector<16xf32> to vector<1x16xf32>
      tpu.vector_store %arg12[%swap3A_386, %swap3A_387], %swap3A_390 {strides = array<i32>} : memref<40x128xf32, #tpu.memory_space<vmem>>, vector<1x16xf32>,
      %mul3A_391 = arith.constant 128 : i32
      %mul3A_392 = arith.muli %scan3A_225, %mul3A_391 : i32
      %add3A_393 = arith.constant 96 : i32
      %add3A_394 = arith.addi %mul3A_392, %add3A_393 : i32
      %multiple_of3A_395 = tpu.assume_multiple %add3A_394, 16 : i32
      %get3A_396 = arith.index_cast %multiple_of3A_395 : i32 to index
      %get3A_397 = tpu.vector_load %arg8[%get3A_396] {strides = array<i32>} : memref<5120xi32, #tpu.memory_space<vmem>>, vector<16xi32>,
      %get3A_398 = vector.shape_cast %get3A_397 : vector<16xi32> to vector<16xi32>
      %get3A_399 = arith.index_cast %multiple_of3A_395 : i32 to index
      %get3A_400 = tpu.vector_load %arg9[%get3A_399] {strides = array<i32>} : memref<5120xi32, #tpu.memory_space<vmem>>, vector<16xi32>,
      %get3A_401 = vector.shape_cast %get3A_400 : vector<16xi32> to vector<16xi32>
      %mul3A_402 = arith.constant 128 : i32
      %mul3A_403 = vector.broadcast %mul3A_402 : i32 to vector<16xi32>
      %mul3A_404 = arith.muli %get3A_398, %mul3A_403 : vector<16xi32>
      %add3A_405 = arith.addi %mul3A_404, %get3A_401 : vector<16xi32>
      %swap3A_406 = arith.index_cast %scan3A_225 : i32 to index
      %swap3A_407 = arith.constant 96 : index
      %swap3A_408 = tpu.vector_load %arg11[%swap3A_406, %swap3A_407] {strides = array<i32>} : memref<40x128xi32, #tpu.memory_space<vmem>>, vector<1x16xi32>,
      %swap3A_409 = vector.shape_cast %swap3A_408 : vector<1x16xi32> to vector<16xi32>
      %swap3A_410 = vector.shape_cast %add3A_405 : vector<16xi32> to vector<1x16xi32>
      tpu.vector_store %arg11[%swap3A_406, %swap3A_407], %swap3A_410 {strides = array<i32>} : memref<40x128xi32, #tpu.memory_space<vmem>>, vector<1x16xi32>,
      %get3A_411 = arith.index_cast %multiple_of3A_395 : i32 to index
      %get3A_412 = tpu.vector_load %arg10[%get3A_411] {strides = array<i32>} : memref<5120xf32, #tpu.memory_space<vmem>>, vector<16xf32>,
      %get3A_413 = vector.shape_cast %get3A_412 : vector<16xf32> to vector<16xf32>
      %swap3A_414 = arith.index_cast %scan3A_225 : i32 to index
      %swap3A_415 = arith.constant 96 : index
      %swap3A_416 = tpu.vector_load %arg12[%swap3A_414, %swap3A_415] {strides = array<i32>} : memref<40x128xf32, #tpu.memory_space<vmem>>, vector<1x16xf32>,
      %swap3A_417 = vector.shape_cast %swap3A_416 : vector<1x16xf32> to vector<16xf32>
      %swap3A_418 = vector.shape_cast %get3A_413 : vector<16xf32> to vector<1x16xf32>
      tpu.vector_store %arg12[%swap3A_414, %swap3A_415], %swap3A_418 {strides = array<i32>} : memref<40x128xf32, #tpu.memory_space<vmem>>, vector<1x16xf32>,
      %mul3A_419 = arith.constant 128 : i32
      %mul3A_420 = arith.muli %scan3A_225, %mul3A_419 : i32
      %add3A_421 = arith.constant 112 : i32
      %add3A_422 = arith.addi %mul3A_420, %add3A_421 : i32
      %multiple_of3A_423 = tpu.assume_multiple %add3A_422, 16 : i32
      %get3A_424 = arith.index_cast %multiple_of3A_423 : i32 to index
      %get3A_425 = tpu.vector_load %arg8[%get3A_424] {strides = array<i32>} : memref<5120xi32, #tpu.memory_space<vmem>>, vector<16xi32>,
      %get3A_426 = vector.shape_cast %get3A_425 : vector<16xi32> to vector<16xi32>
      %get3A_427 = arith.index_cast %multiple_of3A_423 : i32 to index
      %get3A_428 = tpu.vector_load %arg9[%get3A_427] {strides = array<i32>} : memref<5120xi32, #tpu.memory_space<vmem>>, vector<16xi32>,
      %get3A_429 = vector.shape_cast %get3A_428 : vector<16xi32> to vector<16xi32>
      %mul3A_430 = arith.constant 128 : i32
      %mul3A_431 = vector.broadcast %mul3A_430 : i32 to vector<16xi32>
      %mul3A_432 = arith.muli %get3A_426, %mul3A_431 : vector<16xi32>
      %add3A_433 = arith.addi %mul3A_432, %get3A_429 : vector<16xi32>
      %swap3A_434 = arith.index_cast %scan3A_225 : i32 to index
      %swap3A_435 = arith.constant 112 : index
      %swap3A_436 = tpu.vector_load %arg11[%swap3A_434, %swap3A_435] {strides = array<i32>} : memref<40x128xi32, #tpu.memory_space<vmem>>, vector<1x16xi32>,
      %swap3A_437 = vector.shape_cast %swap3A_436 : vector<1x16xi32> to vector<16xi32>
      %swap3A_438 = vector.shape_cast %add3A_433 : vector<16xi32> to vector<1x16xi32>
      tpu.vector_store %arg11[%swap3A_434, %swap3A_435], %swap3A_438 {strides = array<i32>} : memref<40x128xi32, #tpu.memory_space<vmem>>, vector<1x16xi32>,
      %get3A_439 = arith.index_cast %multiple_of3A_423 : i32 to index
      %get3A_440 = tpu.vector_load %arg10[%get3A_439] {strides = array<i32>} : memref<5120xf32, #tpu.memory_space<vmem>>, vector<16xf32>,
      %get3A_441 = vector.shape_cast %get3A_440 : vector<16xf32> to vector<16xf32>
      %swap3A_442 = arith.index_cast %scan3A_225 : i32 to index
      %swap3A_443 = arith.constant 112 : index
      %swap3A_444 = tpu.vector_load %arg12[%swap3A_442, %swap3A_443] {strides = array<i32>} : memref<40x128xf32, #tpu.memory_space<vmem>>, vector<1x16xf32>,
      %swap3A_445 = vector.shape_cast %swap3A_444 : vector<1x16xf32> to vector<16xf32>
      %swap3A_446 = vector.shape_cast %get3A_441 : vector<16xf32> to vector<1x16xf32>
      tpu.vector_store %arg12[%swap3A_442, %swap3A_443], %swap3A_446 {strides = array<i32>} : memref<40x128xf32, #tpu.memory_space<vmem>>, vector<1x16xf32>,
    }
    %scan3A_106 = arith.constant 39 : i32
    %scan3A_107 = arith.constant 0 : i32
    %scan3A_108 = arith.constant 8 : i32
    %scan3A_109 = arith.addi %scan3A_107, %scan3A_108 : i32
    %scan3A_110 = arith.constant 1 : i32
    scf.for %scan3A_225 = %scan3A_107 to %scan3A_109 step %scan3A_110  : i32 {
      %mul3A_226 = arith.constant 16 : i32
      %mul3A_227 = arith.muli %scan3A_225, %mul3A_226 : i32
      %add3A_228 = arith.constant 4992 : i32
      %add3A_229 = arith.addi %add3A_228, %mul3A_227 : i32
      %multiple_of3A = tpu.assume_multiple %add3A_229, 16 : i32
      %mul3A_230 = arith.constant 16 : i32
      %mul3A_231 = arith.muli %scan3A_225, %mul3A_230 : i32
      %add3A_232 = vector.broadcast %mul3A_231 : i32 to vector<16xi32>
      %add3A_233 = arith.addi %add3A_232, %iota3A : vector<16xi32>
      %lt3A = arith.constant 8 : i32
      %lt3A_234 = vector.broadcast %lt3A : i32 to vector<16xi32>
      %lt3A_235 = arith.cmpi slt, %add3A_233, %lt3A_234 : vector<16xi32>
      %get3A = arith.index_cast %multiple_of3A : i32 to index
      %get3A_236 = tpu.vector_load %arg8[%get3A] {strides = array<i32>} : memref<5120xi32, #tpu.memory_space<vmem>>, vector<16xi32>,
      %get3A_237 = vector.shape_cast %get3A_236 : vector<16xi32> to vector<16xi32>
      %get3A_238 = arith.index_cast %multiple_of3A : i32 to index
      %get3A_239 = tpu.vector_load %arg9[%get3A_238] {strides = array<i32>} : memref<5120xi32, #tpu.memory_space<vmem>>, vector<16xi32>,
      %get3A_240 = vector.shape_cast %get3A_239 : vector<16xi32> to vector<16xi32>
      %get3A_241 = arith.index_cast %multiple_of3A : i32 to index
      %get3A_242 = tpu.vector_load %arg10[%get3A_241] {strides = array<i32>} : memref<5120xf32, #tpu.memory_space<vmem>>, vector<16xf32>,
      %get3A_243 = vector.shape_cast %get3A_242 : vector<16xf32> to vector<16xf32>
      %mul3A_244 = arith.constant 128 : i32
      %mul3A_245 = vector.broadcast %mul3A_244 : i32 to vector<16xi32>
      %mul3A_246 = arith.muli %get3A_237, %mul3A_245 : vector<16xi32>
      %add3A_247 = arith.addi %mul3A_246, %get3A_240 : vector<16xi32>
      %jit3A = arith.constant 0 : i32
      %broadcast_in_dim3A_248 = vector.broadcast %jit3A : i32 to vector<16xi32>
      %select_n3A = arith.select %lt3A_235, %add3A_247, %broadcast_in_dim3A_248 : vector<16xi1>, vector<16xi32>
      %mul3A_249 = arith.constant 16 : i32
      %mul3A_250 = arith.muli %scan3A_225, %mul3A_249 : i32
      %swap3A = arith.constant 39 : i32
      %swap3A_251 = arith.index_cast %swap3A : i32 to index
      %swap3A_252 = arith.index_cast %mul3A_250 : i32 to index
      %swap3A_253 = tpu.vector_load %arg11[%swap3A_251, %swap3A_252] {strides = array<i32>} : memref<40x128xi32, #tpu.memory_space<vmem>>, vector<1x16xi32>,
      %swap3A_254 = vector.shape_cast %swap3A_253 : vector<1x16xi32> to vector<16xi32>
      %swap3A_255 = vector.shape_cast %select_n3A : vector<16xi32> to vector<1x16xi32>
      tpu.vector_store %arg11[%swap3A_251, %swap3A_252], %swap3A_255 {strides = array<i32>} : memref<40x128xi32, #tpu.memory_space<vmem>>, vector<1x16xi32>,
      %jit3A_256 = arith.constant 0.000000e+00 : f32
      %broadcast_in_dim3A_257 = vector.broadcast %jit3A_256 : f32 to vector<16xf32>
      %select_n3A_258 = arith.select %lt3A_235, %get3A_243, %broadcast_in_dim3A_257 : vector<16xi1>, vector<16xf32>
      %mul3A_259 = arith.constant 16 : i32
      %mul3A_260 = arith.muli %scan3A_225, %mul3A_259 : i32
      %swap3A_261 = arith.constant 39 : i32
      %swap3A_262 = arith.index_cast %swap3A_261 : i32 to index
      %swap3A_263 = arith.index_cast %mul3A_260 : i32 to index
      %swap3A_264 = tpu.vector_load %arg12[%swap3A_262, %swap3A_263] {strides = array<i32>} : memref<40x128xf32, #tpu.memory_space<vmem>>, vector<1x16xf32>,
      %swap3A_265 = vector.shape_cast %swap3A_264 : vector<1x16xf32> to vector<16xf32>
      %swap3A_266 = vector.shape_cast %select_n3A_258 : vector<16xf32> to vector<1x16xf32>
      tpu.vector_store %arg12[%swap3A_262, %swap3A_263], %swap3A_266 {strides = array<i32>} : memref<40x128xf32, #tpu.memory_space<vmem>>, vector<1x16xf32>,
    }
    %scan3A_111 = arith.constant 8 : i32
    %dma_wait3A_112 = tpu.memref_slice %arg7[%add3A_28] : memref<1280000xf32, #tpu.memory_space<vmem_shared>> -> memref<8000xf32, #tpu.memory_space<vmem_shared>>
    %dma_wait3A_113 = tpu.memref_slice %arg7[%add3A_28] : memref<1280000xf32, #tpu.memory_space<vmem_shared>> -> memref<8000xf32, #tpu.memory_space<vmem_shared>>
    tpu.wait_dma2 semaphore(%arg15 : memref<!tpu.dma_semaphore, #tpu.memory_space<semaphore_mem>>) src(%arg13 : memref<8000xf32, #tpu.memory_space<vmem>>) dst(%dma_wait3A_113 : memref<8000xf32, #tpu.memory_space<vmem_shared>>)
    %dma_wait3A_114 = tpu.memref_slice %arg7[%add3A_34] : memref<1280000xf32, #tpu.memory_space<vmem_shared>> -> memref<8000xf32, #tpu.memory_space<vmem_shared>>
    %dma_wait3A_115 = tpu.memref_slice %arg7[%add3A_34] : memref<1280000xf32, #tpu.memory_space<vmem_shared>> -> memref<8000xf32, #tpu.memory_space<vmem_shared>>
    tpu.wait_dma2 semaphore(%arg15 : memref<!tpu.dma_semaphore, #tpu.memory_space<semaphore_mem>>) src(%arg13 : memref<8000xf32, #tpu.memory_space<vmem>>) dst(%dma_wait3A_115 : memref<8000xf32, #tpu.memory_space<vmem_shared>>)
    %dma_wait3A_116 = tpu.memref_slice %arg7[%add3A_40] : memref<1280000xf32, #tpu.memory_space<vmem_shared>> -> memref<8000xf32, #tpu.memory_space<vmem_shared>>
    %dma_wait3A_117 = tpu.memref_slice %arg7[%add3A_40] : memref<1280000xf32, #tpu.memory_space<vmem_shared>> -> memref<8000xf32, #tpu.memory_space<vmem_shared>>
    tpu.wait_dma2 semaphore(%arg15 : memref<!tpu.dma_semaphore, #tpu.memory_space<semaphore_mem>>) src(%arg13 : memref<8000xf32, #tpu.memory_space<vmem>>) dst(%dma_wait3A_117 : memref<8000xf32, #tpu.memory_space<vmem_shared>>)
    %dma_wait3A_118 = tpu.memref_slice %arg7[%add3A_46] : memref<1280000xf32, #tpu.memory_space<vmem_shared>> -> memref<8000xf32, #tpu.memory_space<vmem_shared>>
    %dma_wait3A_119 = tpu.memref_slice %arg7[%add3A_46] : memref<1280000xf32, #tpu.memory_space<vmem_shared>> -> memref<8000xf32, #tpu.memory_space<vmem_shared>>
    tpu.wait_dma2 semaphore(%arg15 : memref<!tpu.dma_semaphore, #tpu.memory_space<semaphore_mem>>) src(%arg13 : memref<8000xf32, #tpu.memory_space<vmem>>) dst(%dma_wait3A_119 : memref<8000xf32, #tpu.memory_space<vmem_shared>>)
    %dma_wait3A_120 = tpu.memref_slice %arg7[%add3A_52] : memref<1280000xf32, #tpu.memory_space<vmem_shared>> -> memref<8000xf32, #tpu.memory_space<vmem_shared>>
    %dma_wait3A_121 = tpu.memref_slice %arg7[%add3A_52] : memref<1280000xf32, #tpu.memory_space<vmem_shared>> -> memref<8000xf32, #tpu.memory_space<vmem_shared>>
    tpu.wait_dma2 semaphore(%arg15 : memref<!tpu.dma_semaphore, #tpu.memory_space<semaphore_mem>>) src(%arg13 : memref<8000xf32, #tpu.memory_space<vmem>>) dst(%dma_wait3A_121 : memref<8000xf32, #tpu.memory_space<vmem_shared>>)
    %dma_wait3A_122 = tpu.memref_slice %arg7[%add3A_58] : memref<1280000xf32, #tpu.memory_space<vmem_shared>> -> memref<8000xf32, #tpu.memory_space<vmem_shared>>
    %dma_wait3A_123 = tpu.memref_slice %arg7[%add3A_58] : memref<1280000xf32, #tpu.memory_space<vmem_shared>> -> memref<8000xf32, #tpu.memory_space<vmem_shared>>
    tpu.wait_dma2 semaphore(%arg15 : memref<!tpu.dma_semaphore, #tpu.memory_space<semaphore_mem>>) src(%arg13 : memref<8000xf32, #tpu.memory_space<vmem>>) dst(%dma_wait3A_123 : memref<8000xf32, #tpu.memory_space<vmem_shared>>)
    %dma_wait3A_124 = tpu.memref_slice %arg7[%add3A_64] : memref<1280000xf32, #tpu.memory_space<vmem_shared>> -> memref<8000xf32, #tpu.memory_space<vmem_shared>>
    %dma_wait3A_125 = tpu.memref_slice %arg7[%add3A_64] : memref<1280000xf32, #tpu.memory_space<vmem_shared>> -> memref<8000xf32, #tpu.memory_space<vmem_shared>>
    tpu.wait_dma2 semaphore(%arg15 : memref<!tpu.dma_semaphore, #tpu.memory_space<semaphore_mem>>) src(%arg13 : memref<8000xf32, #tpu.memory_space<vmem>>) dst(%dma_wait3A_125 : memref<8000xf32, #tpu.memory_space<vmem_shared>>)
    %dma_wait3A_126 = tpu.memref_slice %arg7[%add3A_70] : memref<1280000xf32, #tpu.memory_space<vmem_shared>> -> memref<8000xf32, #tpu.memory_space<vmem_shared>>
    %dma_wait3A_127 = tpu.memref_slice %arg7[%add3A_70] : memref<1280000xf32, #tpu.memory_space<vmem_shared>> -> memref<8000xf32, #tpu.memory_space<vmem_shared>>
    tpu.wait_dma2 semaphore(%arg15 : memref<!tpu.dma_semaphore, #tpu.memory_space<semaphore_mem>>) src(%arg13 : memref<8000xf32, #tpu.memory_space<vmem>>) dst(%dma_wait3A_127 : memref<8000xf32, #tpu.memory_space<vmem_shared>>)
    %dma_wait3A_128 = tpu.memref_slice %arg7[%add3A_76] : memref<1280000xf32, #tpu.memory_space<vmem_shared>> -> memref<8000xf32, #tpu.memory_space<vmem_shared>>
    %dma_wait3A_129 = tpu.memref_slice %arg7[%add3A_76] : memref<1280000xf32, #tpu.memory_space<vmem_shared>> -> memref<8000xf32, #tpu.memory_space<vmem_shared>>
    tpu.wait_dma2 semaphore(%arg15 : memref<!tpu.dma_semaphore, #tpu.memory_space<semaphore_mem>>) src(%arg13 : memref<8000xf32, #tpu.memory_space<vmem>>) dst(%dma_wait3A_129 : memref<8000xf32, #tpu.memory_space<vmem_shared>>)
    %dma_wait3A_130 = tpu.memref_slice %arg7[%add3A_82] : memref<1280000xf32, #tpu.memory_space<vmem_shared>> -> memref<8000xf32, #tpu.memory_space<vmem_shared>>
    %dma_wait3A_131 = tpu.memref_slice %arg7[%add3A_82] : memref<1280000xf32, #tpu.memory_space<vmem_shared>> -> memref<8000xf32, #tpu.memory_space<vmem_shared>>
    tpu.wait_dma2 semaphore(%arg15 : memref<!tpu.dma_semaphore, #tpu.memory_space<semaphore_mem>>) src(%arg13 : memref<8000xf32, #tpu.memory_space<vmem>>) dst(%dma_wait3A_131 : memref<8000xf32, #tpu.memory_space<vmem_shared>>)
    %barrier3A = arith.constant 0 : index
    tpu.barrier barrier_id(%barrier3A)
    %dma_start3A_132 = arith.constant 0 : i32
    %dma_start3A_133 = arith.constant 0 : i32
    %dma_start3A_134 = arith.constant 0 : i32
    %dma_start3A_135 = tpu.memref_slice %arg12[%dma_start3A_132, %dma_start3A_134] : memref<40x128xf32, #tpu.memory_space<vmem>> -> memref<1x128xf32, #tpu.memory_space<vmem>>
    %dma_start3A_136 = tpu.memref_squeeze %dma_start3A_135 : memref<1x128xf32, #tpu.memory_space<vmem>> -> memref<128xf32, #tpu.memory_space<vmem>>
    %dma_start3A_137 = arith.constant 0 : i32
    %dma_start3A_138 = tpu.memref_slice %arg11[%dma_start3A_133, %dma_start3A_137] : memref<40x128xi32, #tpu.memory_space<vmem>> -> memref<1x128xi32, #tpu.memory_space<vmem>>
    %dma_start3A_139 = tpu.memref_squeeze %dma_start3A_138 : memref<1x128xi32, #tpu.memory_space<vmem>> -> memref<128xi32, #tpu.memory_space<vmem>>
    %dma_start3A_140 = arith.constant 0 : i32
    %dma_start3A_141 = tpu.memref_slice %arg7[%dma_start3A_140] : memref<1280000xf32, #tpu.memory_space<vmem_shared>> -> memref<1280000xf32, #tpu.memory_space<vmem_shared>>
    tpu.enqueue_indirect_dma source(%dma_start3A_136 : memref<128xf32, #tpu.memory_space<vmem>>) target(%dma_start3A_141 : memref<1280000xf32, #tpu.memory_space<vmem_shared>>) offsets(%dma_start3A_139 : memref<128xi32, #tpu.memory_space<vmem>>) semaphore(%arg16 : memref<!tpu.dma_semaphore, #tpu.memory_space<semaphore_mem>>) {add = true}
    %dma_start3A_142 = arith.constant 1 : i32
    %dma_start3A_143 = arith.constant 1 : i32
    %dma_start3A_144 = arith.constant 0 : i32
    %dma_start3A_145 = tpu.memref_slice %arg12[%dma_start3A_142, %dma_start3A_144] : memref<40x128xf32, #tpu.memory_space<vmem>> -> memref<1x128xf32, #tpu.memory_space<vmem>>
    %dma_start3A_146 = tpu.memref_squeeze %dma_start3A_145 : memref<1x128xf32, #tpu.memory_space<vmem>> -> memref<128xf32, #tpu.memory_space<vmem>>
    %dma_start3A_147 = arith.constant 0 : i32
    %dma_start3A_148 = tpu.memref_slice %arg11[%dma_start3A_143, %dma_start3A_147] : memref<40x128xi32, #tpu.memory_space<vmem>> -> memref<1x128xi32, #tpu.memory_space<vmem>>
    %dma_start3A_149 = tpu.memref_squeeze %dma_start3A_148 : memref<1x128xi32, #tpu.memory_space<vmem>> -> memref<128xi32, #tpu.memory_space<vmem>>
    %dma_start3A_150 = arith.constant 0 : i32
    %dma_start3A_151 = tpu.memref_slice %arg7[%dma_start3A_150] : memref<1280000xf32, #tpu.memory_space<vmem_shared>> -> memref<1280000xf32, #tpu.memory_space<vmem_shared>>
    tpu.enqueue_indirect_dma source(%dma_start3A_146 : memref<128xf32, #tpu.memory_space<vmem>>) target(%dma_start3A_151 : memref<1280000xf32, #tpu.memory_space<vmem_shared>>) offsets(%dma_start3A_149 : memref<128xi32, #tpu.memory_space<vmem>>) semaphore(%arg16 : memref<!tpu.dma_semaphore, #tpu.memory_space<semaphore_mem>>) {add = true}
    %dma_start3A_152 = arith.constant 2 : i32
    %dma_start3A_153 = arith.constant 2 : i32
    %dma_start3A_154 = arith.constant 0 : i32
    %dma_start3A_155 = tpu.memref_slice %arg12[%dma_start3A_152, %dma_start3A_154] : memref<40x128xf32, #tpu.memory_space<vmem>> -> memref<1x128xf32, #tpu.memory_space<vmem>>
    %dma_start3A_156 = tpu.memref_squeeze %dma_start3A_155 : memref<1x128xf32, #tpu.memory_space<vmem>> -> memref<128xf32, #tpu.memory_space<vmem>>
    %dma_start3A_157 = arith.constant 0 : i32
    %dma_start3A_158 = tpu.memref_slice %arg11[%dma_start3A_153, %dma_start3A_157] : memref<40x128xi32, #tpu.memory_space<vmem>> -> memref<1x128xi32, #tpu.memory_space<vmem>>
    %dma_start3A_159 = tpu.memref_squeeze %dma_start3A_158 : memref<1x128xi32, #tpu.memory_space<vmem>> -> memref<128xi32, #tpu.memory_space<vmem>>
    %dma_start3A_160 = arith.constant 0 : i32
    %dma_start3A_161 = tpu.memref_slice %arg7[%dma_start3A_160] : memref<1280000xf32, #tpu.memory_space<vmem_shared>> -> memref<1280000xf32, #tpu.memory_space<vmem_shared>>
    tpu.enqueue_indirect_dma source(%dma_start3A_156 : memref<128xf32, #tpu.memory_space<vmem>>) target(%dma_start3A_161 : memref<1280000xf32, #tpu.memory_space<vmem_shared>>) offsets(%dma_start3A_159 : memref<128xi32, #tpu.memory_space<vmem>>) semaphore(%arg16 : memref<!tpu.dma_semaphore, #tpu.memory_space<semaphore_mem>>) {add = true}
    %dma_start3A_162 = arith.constant 3 : i32
    %dma_start3A_163 = arith.constant 3 : i32
    %dma_start3A_164 = arith.constant 0 : i32
    %dma_start3A_165 = tpu.memref_slice %arg12[%dma_start3A_162, %dma_start3A_164] : memref<40x128xf32, #tpu.memory_space<vmem>> -> memref<1x128xf32, #tpu.memory_space<vmem>>
    %dma_start3A_166 = tpu.memref_squeeze %dma_start3A_165 : memref<1x128xf32, #tpu.memory_space<vmem>> -> memref<128xf32, #tpu.memory_space<vmem>>
    %dma_start3A_167 = arith.constant 0 : i32
    %dma_start3A_168 = tpu.memref_slice %arg11[%dma_start3A_163, %dma_start3A_167] : memref<40x128xi32, #tpu.memory_space<vmem>> -> memref<1x128xi32, #tpu.memory_space<vmem>>
    %dma_start3A_169 = tpu.memref_squeeze %dma_start3A_168 : memref<1x128xi32, #tpu.memory_space<vmem>> -> memref<128xi32, #tpu.memory_space<vmem>>
    %dma_start3A_170 = arith.constant 0 : i32
    %dma_start3A_171 = tpu.memref_slice %arg7[%dma_start3A_170] : memref<1280000xf32, #tpu.memory_space<vmem_shared>> -> memref<1280000xf32, #tpu.memory_space<vmem_shared>>
    tpu.enqueue_indirect_dma source(%dma_start3A_166 : memref<128xf32, #tpu.memory_space<vmem>>) target(%dma_start3A_171 : memref<1280000xf32, #tpu.memory_space<vmem_shared>>) offsets(%dma_start3A_169 : memref<128xi32, #tpu.memory_space<vmem>>) semaphore(%arg16 : memref<!tpu.dma_semaphore, #tpu.memory_space<semaphore_mem>>) {add = true}
    %scan3A_172 = arith.constant 4 : i32
    %scan3A_173 = arith.constant 36 : i32
    %scan3A_174 = arith.addi %scan3A_172, %scan3A_173 : i32
    %scan3A_175 = arith.constant 1 : i32
    scf.for %scan3A_225 = %scan3A_172 to %scan3A_174 step %scan3A_175  : i32 {
      %dma_start3A_226 = arith.constant 0 : i32
      %dma_start3A_227 = tpu.memref_slice %arg12[%scan3A_225, %dma_start3A_226] : memref<40x128xf32, #tpu.memory_space<vmem>> -> memref<1x128xf32, #tpu.memory_space<vmem>>
      %dma_start3A_228 = tpu.memref_squeeze %dma_start3A_227 : memref<1x128xf32, #tpu.memory_space<vmem>> -> memref<128xf32, #tpu.memory_space<vmem>>
      %dma_start3A_229 = arith.constant 0 : i32
      %dma_start3A_230 = tpu.memref_slice %arg11[%scan3A_225, %dma_start3A_229] : memref<40x128xi32, #tpu.memory_space<vmem>> -> memref<1x128xi32, #tpu.memory_space<vmem>>
      %dma_start3A_231 = tpu.memref_squeeze %dma_start3A_230 : memref<1x128xi32, #tpu.memory_space<vmem>> -> memref<128xi32, #tpu.memory_space<vmem>>
      %dma_start3A_232 = arith.constant 0 : i32
      %dma_start3A_233 = tpu.memref_slice %arg7[%dma_start3A_232] : memref<1280000xf32, #tpu.memory_space<vmem_shared>> -> memref<1280000xf32, #tpu.memory_space<vmem_shared>>
      tpu.enqueue_indirect_dma source(%dma_start3A_228 : memref<128xf32, #tpu.memory_space<vmem>>) target(%dma_start3A_233 : memref<1280000xf32, #tpu.memory_space<vmem_shared>>) offsets(%dma_start3A_231 : memref<128xi32, #tpu.memory_space<vmem>>) semaphore(%arg16 : memref<!tpu.dma_semaphore, #tpu.memory_space<semaphore_mem>>) {add = true}
      %dma_wait3A_234 = arith.constant 0 : i32
      %dma_wait3A_235 = tpu.memref_slice %arg12[%scan3A_225, %dma_wait3A_234] : memref<40x128xf32, #tpu.memory_space<vmem>> -> memref<1x128xf32, #tpu.memory_space<vmem>>
      %dma_wait3A_236 = tpu.memref_squeeze %dma_wait3A_235 : memref<1x128xf32, #tpu.memory_space<vmem>> -> memref<128xf32, #tpu.memory_space<vmem>>
      %dma_wait3A_237 = arith.constant 0 : i32
      %dma_wait3A_238 = tpu.memref_slice %arg11[%scan3A_225, %dma_wait3A_237] : memref<40x128xi32, #tpu.memory_space<vmem>> -> memref<1x128xi32, #tpu.memory_space<vmem>>
      %dma_wait3A_239 = tpu.memref_squeeze %dma_wait3A_238 : memref<1x128xi32, #tpu.memory_space<vmem>> -> memref<128xi32, #tpu.memory_space<vmem>>
      %dma_wait3A_240 = arith.constant 0 : i32
      %dma_wait3A_241 = tpu.memref_slice %arg7[%dma_wait3A_240] : memref<1280000xf32, #tpu.memory_space<vmem_shared>> -> memref<1280000xf32, #tpu.memory_space<vmem_shared>>
      tpu.wait_indirect_dma semaphore(%arg16 : memref<!tpu.dma_semaphore, #tpu.memory_space<semaphore_mem>>) src(%dma_wait3A_236 : memref<128xf32, #tpu.memory_space<vmem>>) dst(%dma_wait3A_241 : memref<1280000xf32, #tpu.memory_space<vmem_shared>>)
    }
    %scan3A_176 = arith.constant 36 : i32
    %dma_wait3A_177 = arith.constant 0 : i32
    %dma_wait3A_178 = arith.constant 0 : i32
    %dma_wait3A_179 = arith.constant 0 : i32
    %dma_wait3A_180 = tpu.memref_slice %arg12[%dma_wait3A_177, %dma_wait3A_179] : memref<40x128xf32, #tpu.memory_space<vmem>> -> memref<1x128xf32, #tpu.memory_space<vmem>>
    %dma_wait3A_181 = tpu.memref_squeeze %dma_wait3A_180 : memref<1x128xf32, #tpu.memory_space<vmem>> -> memref<128xf32, #tpu.memory_space<vmem>>
    %dma_wait3A_182 = arith.constant 0 : i32
    %dma_wait3A_183 = tpu.memref_slice %arg11[%dma_wait3A_178, %dma_wait3A_182] : memref<40x128xi32, #tpu.memory_space<vmem>> -> memref<1x128xi32, #tpu.memory_space<vmem>>
    %dma_wait3A_184 = tpu.memref_squeeze %dma_wait3A_183 : memref<1x128xi32, #tpu.memory_space<vmem>> -> memref<128xi32, #tpu.memory_space<vmem>>
    %dma_wait3A_185 = arith.constant 0 : i32
    %dma_wait3A_186 = tpu.memref_slice %arg7[%dma_wait3A_185] : memref<1280000xf32, #tpu.memory_space<vmem_shared>> -> memref<1280000xf32, #tpu.memory_space<vmem_shared>>
    tpu.wait_indirect_dma semaphore(%arg16 : memref<!tpu.dma_semaphore, #tpu.memory_space<semaphore_mem>>) src(%dma_wait3A_181 : memref<128xf32, #tpu.memory_space<vmem>>) dst(%dma_wait3A_186 : memref<1280000xf32, #tpu.memory_space<vmem_shared>>)
    %dma_wait3A_187 = arith.constant 1 : i32
    %dma_wait3A_188 = arith.constant 1 : i32
    %dma_wait3A_189 = arith.constant 0 : i32
    %dma_wait3A_190 = tpu.memref_slice %arg12[%dma_wait3A_187, %dma_wait3A_189] : memref<40x128xf32, #tpu.memory_space<vmem>> -> memref<1x128xf32, #tpu.memory_space<vmem>>
    %dma_wait3A_191 = tpu.memref_squeeze %dma_wait3A_190 : memref<1x128xf32, #tpu.memory_space<vmem>> -> memref<128xf32, #tpu.memory_space<vmem>>
    %dma_wait3A_192 = arith.constant 0 : i32
    %dma_wait3A_193 = tpu.memref_slice %arg11[%dma_wait3A_188, %dma_wait3A_192] : memref<40x128xi32, #tpu.memory_space<vmem>> -> memref<1x128xi32, #tpu.memory_space<vmem>>
    %dma_wait3A_194 = tpu.memref_squeeze %dma_wait3A_193 : memref<1x128xi32, #tpu.memory_space<vmem>> -> memref<128xi32, #tpu.memory_space<vmem>>
    %dma_wait3A_195 = arith.constant 0 : i32
    %dma_wait3A_196 = tpu.memref_slice %arg7[%dma_wait3A_195] : memref<1280000xf32, #tpu.memory_space<vmem_shared>> -> memref<1280000xf32, #tpu.memory_space<vmem_shared>>
    tpu.wait_indirect_dma semaphore(%arg16 : memref<!tpu.dma_semaphore, #tpu.memory_space<semaphore_mem>>) src(%dma_wait3A_191 : memref<128xf32, #tpu.memory_space<vmem>>) dst(%dma_wait3A_196 : memref<1280000xf32, #tpu.memory_space<vmem_shared>>)
    %dma_wait3A_197 = arith.constant 2 : i32
    %dma_wait3A_198 = arith.constant 2 : i32
    %dma_wait3A_199 = arith.constant 0 : i32
    %dma_wait3A_200 = tpu.memref_slice %arg12[%dma_wait3A_197, %dma_wait3A_199] : memref<40x128xf32, #tpu.memory_space<vmem>> -> memref<1x128xf32, #tpu.memory_space<vmem>>
    %dma_wait3A_201 = tpu.memref_squeeze %dma_wait3A_200 : memref<1x128xf32, #tpu.memory_space<vmem>> -> memref<128xf32, #tpu.memory_space<vmem>>
    %dma_wait3A_202 = arith.constant 0 : i32
    %dma_wait3A_203 = tpu.memref_slice %arg11[%dma_wait3A_198, %dma_wait3A_202] : memref<40x128xi32, #tpu.memory_space<vmem>> -> memref<1x128xi32, #tpu.memory_space<vmem>>
    %dma_wait3A_204 = tpu.memref_squeeze %dma_wait3A_203 : memref<1x128xi32, #tpu.memory_space<vmem>> -> memref<128xi32, #tpu.memory_space<vmem>>
    %dma_wait3A_205 = arith.constant 0 : i32
    %dma_wait3A_206 = tpu.memref_slice %arg7[%dma_wait3A_205] : memref<1280000xf32, #tpu.memory_space<vmem_shared>> -> memref<1280000xf32, #tpu.memory_space<vmem_shared>>
    tpu.wait_indirect_dma semaphore(%arg16 : memref<!tpu.dma_semaphore, #tpu.memory_space<semaphore_mem>>) src(%dma_wait3A_201 : memref<128xf32, #tpu.memory_space<vmem>>) dst(%dma_wait3A_206 : memref<1280000xf32, #tpu.memory_space<vmem_shared>>)
    %dma_wait3A_207 = arith.constant 3 : i32
    %dma_wait3A_208 = arith.constant 3 : i32
    %dma_wait3A_209 = arith.constant 0 : i32
    %dma_wait3A_210 = tpu.memref_slice %arg12[%dma_wait3A_207, %dma_wait3A_209] : memref<40x128xf32, #tpu.memory_space<vmem>> -> memref<1x128xf32, #tpu.memory_space<vmem>>
    %dma_wait3A_211 = tpu.memref_squeeze %dma_wait3A_210 : memref<1x128xf32, #tpu.memory_space<vmem>> -> memref<128xf32, #tpu.memory_space<vmem>>
    %dma_wait3A_212 = arith.constant 0 : i32
    %dma_wait3A_213 = tpu.memref_slice %arg11[%dma_wait3A_208, %dma_wait3A_212] : memref<40x128xi32, #tpu.memory_space<vmem>> -> memref<1x128xi32, #tpu.memory_space<vmem>>
    %dma_wait3A_214 = tpu.memref_squeeze %dma_wait3A_213 : memref<1x128xi32, #tpu.memory_space<vmem>> -> memref<128xi32, #tpu.memory_space<vmem>>
    %dma_wait3A_215 = arith.constant 0 : i32
    %dma_wait3A_216 = tpu.memref_slice %arg7[%dma_wait3A_215] : memref<1280000xf32, #tpu.memory_space<vmem_shared>> -> memref<1280000xf32, #tpu.memory_space<vmem_shared>>
    tpu.wait_indirect_dma semaphore(%arg16 : memref<!tpu.dma_semaphore, #tpu.memory_space<semaphore_mem>>) src(%dma_wait3A_211 : memref<128xf32, #tpu.memory_space<vmem>>) dst(%dma_wait3A_216 : memref<1280000xf32, #tpu.memory_space<vmem_shared>>)
    %barrier3A_217 = arith.constant 0 : index
    tpu.barrier barrier_id(%barrier3A_217)
    %eq3A = arith.constant 0 : i32
    %eq3A_218 = arith.cmpi eq, %arg0, %eq3A : i32
    %convert_element_type3A = arith.extui %eq3A_218 : i1 to i32
    %cond3A = arith.constant 0 : i32
    %cond3A_219 = arith.cmpi ne, %convert_element_type3A, %cond3A : i32
    scf.if %cond3A_219 {
      %mul3A_225 = arith.constant 80000 : i32
      %mul3A_226 = arith.muli %arg1, %mul3A_225 : i32
      %mul3A_227 = arith.constant 80000 : i32
      %mul3A_228 = arith.muli %arg1, %mul3A_227 : i32
      "tpu.region"() ({
        %run_scoped3A = tpu.sem_alloc : memref<!tpu.dma_semaphore, #tpu.memory_space<semaphore_mem>>
        %dma_start3A_229 = tpu.memref_slice %arg5[%mul3A_228] : memref<1280000xf32, #tpu.memory_space<hbm>> -> memref<80000xf32, #tpu.memory_space<hbm>>
        %dma_start3A_230 = tpu.memref_slice %arg7[%mul3A_226] : memref<1280000xf32, #tpu.memory_space<vmem_shared>> -> memref<80000xf32, #tpu.memory_space<vmem_shared>>
        tpu.enqueue_dma source(%dma_start3A_230 : memref<80000xf32, #tpu.memory_space<vmem_shared>>) target(%dma_start3A_229 : memref<80000xf32, #tpu.memory_space<hbm>>) target_semaphore(%run_scoped3A : memref<!tpu.dma_semaphore, #tpu.memory_space<semaphore_mem>>)
        %dma_wait3A_231 = tpu.memref_slice %arg5[%mul3A_228] : memref<1280000xf32, #tpu.memory_space<hbm>> -> memref<80000xf32, #tpu.memory_space<hbm>>
        %dma_wait3A_232 = tpu.memref_slice %arg7[%mul3A_226] : memref<1280000xf32, #tpu.memory_space<vmem_shared>> -> memref<80000xf32, #tpu.memory_space<vmem_shared>>
        tpu.wait_dma2 semaphore(%run_scoped3A : memref<!tpu.dma_semaphore, #tpu.memory_space<semaphore_mem>>) src(%dma_wait3A_232 : memref<80000xf32, #tpu.memory_space<vmem_shared>>) dst(%dma_wait3A_231 : memref<80000xf32, #tpu.memory_space<hbm>>)
        tpu.yield
      }) : () -> ()
    } else {
    }
    %eq3A_220 = arith.constant 1 : i32
    %eq3A_221 = arith.cmpi eq, %arg0, %eq3A_220 : i32
    %convert_element_type3A_222 = arith.extui %eq3A_221 : i1 to i32
    %cond3A_223 = arith.constant 0 : i32
    %cond3A_224 = arith.cmpi ne, %convert_element_type3A_222, %cond3A_223 : i32
    scf.if %cond3A_224 {
      %mul3A_225 = arith.constant 80000 : i32
      %mul3A_226 = arith.muli %arg1, %mul3A_225 : i32
      %mul3A_227 = arith.constant 80000 : i32
      %mul3A_228 = arith.muli %arg1, %mul3A_227 : i32
      "tpu.region"() ({
        %run_scoped3A = tpu.sem_alloc : memref<!tpu.dma_semaphore, #tpu.memory_space<semaphore_mem>>
        %dma_start3A_229 = tpu.memref_slice %arg6[%mul3A_228] : memref<1280000xf32, #tpu.memory_space<hbm>> -> memref<80000xf32, #tpu.memory_space<hbm>>
        %dma_start3A_230 = tpu.memref_slice %arg7[%mul3A_226] : memref<1280000xf32, #tpu.memory_space<vmem_shared>> -> memref<80000xf32, #tpu.memory_space<vmem_shared>>
        tpu.enqueue_dma source(%dma_start3A_230 : memref<80000xf32, #tpu.memory_space<vmem_shared>>) target(%dma_start3A_229 : memref<80000xf32, #tpu.memory_space<hbm>>) target_semaphore(%run_scoped3A : memref<!tpu.dma_semaphore, #tpu.memory_space<semaphore_mem>>)
        %dma_wait3A_231 = tpu.memref_slice %arg6[%mul3A_228] : memref<1280000xf32, #tpu.memory_space<hbm>> -> memref<80000xf32, #tpu.memory_space<hbm>>
        %dma_wait3A_232 = tpu.memref_slice %arg7[%mul3A_226] : memref<1280000xf32, #tpu.memory_space<vmem_shared>> -> memref<80000xf32, #tpu.memory_space<vmem_shared>>
        tpu.wait_dma2 semaphore(%run_scoped3A : memref<!tpu.dma_semaphore, #tpu.memory_space<semaphore_mem>>) src(%dma_wait3A_232 : memref<80000xf32, #tpu.memory_space<vmem_shared>>) dst(%dma_wait3A_231 : memref<80000xf32, #tpu.memory_space<hbm>>)
        tpu.yield
      }) : () -> ()
    } else {
    }
    return
  }
}

module attributes {stable_mosaic.version = 14 : i64} {
  func.func @_mm_body(%arg0: i32, %arg1: memref<10000x128xf32, #tpu.memory_space<vmem>>, %arg2: memref<10000x128xf32, #tpu.memory_space<vmem>>, %arg3: memref<128x128xf32, #tpu.memory_space<vmem>>, %arg4: memref<10000x128xf32, #tpu.memory_space<vmem>>) attributes {dimension_semantics = [#tpu.dimension_semantics<arbitrary>], iteration_bounds = array<i64: 1>, scalar_prefetch = 0 : i64, scratch_operands = 0 : i64, tpu.core_type = #tpu.core_type<tc>, window_params = [{transform_indices = @transform_0, window_bounds = array<i64: 10000, 128>}, {transform_indices = @transform_1, window_bounds = array<i64: 10000, 128>}, {pipeline_mode = #tpu.pipeline_mode<synchronous>, transform_indices = @transform_2, window_bounds = array<i64: 128, 128>}, {transform_indices = @transform_3, window_bounds = array<i64: 10000, 128>}]} {
    %get3A = arith.constant 0 : index
    %get3A_0 = arith.constant 0 : index
    %get3A_1 = vector.load %arg1[%get3A, %get3A_0] : memref<10000x128xf32, #tpu.memory_space<vmem>>, vector<10000x128xf32>
    %get3A_2 = arith.constant 0 : index
    %get3A_3 = arith.constant 0 : index
    %get3A_4 = vector.load %arg2[%get3A_2, %get3A_3] : memref<10000x128xf32, #tpu.memory_space<vmem>>, vector<10000x128xf32>
    %add3A = arith.addf %get3A_1, %get3A_4 : vector<10000x128xf32>
    %get3A_5 = arith.constant 0 : index
    %get3A_6 = arith.constant 0 : index
    %get3A_7 = vector.load %arg3[%get3A_5, %get3A_6] : memref<128x128xf32, #tpu.memory_space<vmem>>, vector<128x128xf32>
    %dot_general3A = arith.constant dense<0.000000e+00> : vector<10000x128xf32>
    %dot_general3A_8 = tpu.matmul %add3A, %get3A_7, %dot_general3A {dimension_numbers = #tpu.dot_dimension_numbers<[1], [0], [0], [1], [0, 0, 1, 1], [], []>, transpose_lhs_hint = false} : vector<10000x128xf32>, vector<128x128xf32>, vector<10000x128xf32> -> vector<10000x128xf32>
    %swap3A = arith.constant 0 : index
    %swap3A_9 = arith.constant 0 : index
    %swap3A_10 = vector.load %arg4[%swap3A, %swap3A_9] : memref<10000x128xf32, #tpu.memory_space<vmem>>, vector<10000x128xf32>
    tpu.vector_store %arg4[%swap3A, %swap3A_9], %dot_general3A_8 {strides = array<i32>} : memref<10000x128xf32, #tpu.memory_space<vmem>>, vector<10000x128xf32>,
    return
  }
  func.func @transform_0(%arg0: i32) -> (i32, i32) {
    %c0_i32 = arith.constant 0 : i32
    %c0_i32_0 = arith.constant 0 : i32
    return %arg0, %c0_i32 : i32, i32
  }
  func.func @transform_1(%arg0: i32) -> (i32, i32) {
    %c0_i32 = arith.constant 0 : i32
    %c0_i32_0 = arith.constant 0 : i32
    return %arg0, %c0_i32 : i32, i32
  }
  func.func @transform_2(%arg0: i32) -> (i32, i32) {
    %c0_i32 = arith.constant 0 : i32
    %c0_i32_0 = arith.constant 0 : i32
    %c0_i32_1 = arith.constant 0 : i32
    return %c0_i32, %c0_i32_0 : i32, i32
  }
  func.func @transform_3(%arg0: i32) -> (i32, i32) {
    %c0_i32 = arith.constant 0 : i32
    %c0_i32_0 = arith.constant 0 : i32
    return %arg0, %c0_i32 : i32, i32
  }
}

</mosaic_0001>

<sc_bundles>
// kernel: kernel.4.cloned.1.call-start
scs
__scs_entry_jumppad:
0x0: {  	(pc) =	sbr.rel $0x88, $3  }
0x1: {  	(tag) =	ssettag $0x0;
	lr =	simm.s32 $0x1  }
0x2: {  	[smem:$0x3F9D] =	sst lr;
	_ =	strace $0xD0000000  }
0x3: {  	_ = 	snop  }
0x4: {  	_ = 	snop  }
0x5: {  	_ = 	snop  }
0x6: {  	_ = 	snop  }
0x7: {  	_ = 	snop  }
__scs_overlays_trampoline_lowered:
0x8: {  	[smem:$0x3FAC] =	sst s0  }
0x9: {  	[smem:$0x3FAD] =	sst s1  }
0xa: {  	[smem:$0x3FAE] =	sst s2  }
0xb: {  	[smem:$0x3FAF] =	sst s3  }
0xc: {  	[smem:$0x3FB0] =	sst s4  }
0xd: {  	[smem:$0x3FB1] =	sst s5  }
0xe: {  	[smem:$0x3FB2] =	sst s6  }
0xf: {  	[smem:$0x3FB3] =	sst s7  }
0x10: {  	[smem:$0x3FB4] =	sst s8  }
0x11: {  	[smem:$0x3FB5] =	sst s9;
	s0 =	simm.s32 @!p0 $0x0  }
0x12: {  	s1 =	sld [smem:$0x3F9B];
	s0 =	simm.s32 @p0 $0x1  }
0x13: {  	[smem:$0x3FB6] =	sst s0;
	s0 =	simm.s32 @!p1 $0x0  }
0x14: {  	s2 =	sld [smem:$0x3F9A];
	s0 =	simm.s32 @p1 $0x1  }
0x15: {  	[smem:$0x3FB7] =	sst s0;
	s0 =	simm.s32 @!p2 $0x0  }
0x16: {  	s3 =	sld [smem:$0x3FDB];
	s0 =	simm.s32 @p2 $0x1  }
0x17: {  	s4 =	simm.s32 $0x1BF5;
	[smem:$0x3FB9] =	sst s0  }
0x18: {  	s0 =	sld [smem:$0x3F9C];
	_ =	swait.ge [sflag:s4], $0x0  }
0x19: {  	s7 =	sld [smem:$0x3F9D]  }
0x1a: {  	s8 =	sadd.s32 $0xFFFFE003, lr  }
0x1b: {  	s9 =	sadd.s32 $0xFFFFFEF7, lr;
	s5 =	simm.s32 $0xFFFFFFFF;
	p2 =	slt.u32 s8, $0xFFFFF086  }
0x1c: {  	p1 =	slt.u32 s9, $0xF7A;
	s5 =	simm.s32 @!p2 $0x0  }
0x1d: {  	s5 =	simm.s32 @p1 $0x1;
	p0 =	seq.s32 s7, s2  }
0x1e: {  	s7 =	smul.u32 @!p0 $0xF7A, s2;
	p2 =	seq.s32 @!p0 s5, $0x0  }
0x1f: {  	s9 =	smul.u32 $0xF7A, s1;
	s8 =	simm.s32 @!p0 $0x1BF5;
	p2 =	por !p2, p0  }
0x20: {  	[sflag:s8] =	ssyncset.s32 @!p0 $0xFFFFF086;
	s6 =	sadd.s32 @!p0 s3, s7;
	s7 =	simm.s32 @!p0 $0x108  }
0x21: {  	s3 =	sadd.s32 s3, s9;
	s6 =	sadd.s32 @!p0 $0x88, s6;
	s7 =	simm.s32 @p2 $0x1082  }
0x22: {  	[simem:s7], [sflag:s8] =	dma.local @!p0 [hbm:s6], $0xF7A  }
0x23: {  	s9 =	sor.u32 $0xD0000000, s2;
	s6 =	simm.s32 $0x108;
	_ =	swait.ge @!p0 [sflag:s8], $0x0  }
0x24: {  	s3 =	sadd.s32 $0x88, s3;
	s6 =	simm.s32 @!p1 $0x1082;
	[sflag:s4] =	ssyncset.s32 $0xFFFFF086  }
0x25: {  	[simem:s6], [sflag:s4] =	dma.local [hbm:s3], $0xF7A  }
0x26: {  	[smem:$0x3F9D] =	sst s1;
	(tag) =	ssettag s2;
	_ =	strace s9  }
0x27: {  	s1 =	sld [smem:$0x3FAD]  }
0x28: {  	s2 =	sld [smem:$0x3FAE]  }
0x29: {  	s4 =	sld [smem:$0x3FB0]  }
0x2a: {  	p0 =	seq.s32 s5, $0x0;
	s5 =	sld [smem:$0x3FB1]  }
0x2b: {  	s6 =	sld [smem:$0x3FB2]  }
0x2c: {  	s7 =	sld [smem:$0x3FB3]  }
0x2d: {  	s3 =	simm.s32 $0x108;
	s8 =	sld [smem:$0x3FB4]  }
0x2e: {  	s3 =	simm.s32 @!p0 $0x1082;
	s9 =	sld [smem:$0x3FB5]  }
0x2f: {  	lr =	sadd.s32 s0, s3;
	s0 =	sld [smem:$0x3FAC]  }
0x30: {  	s3 =	sld [smem:$0x3FAF]  }
0x31: {  	[smem:$0x3FB8] =	sst s10  }
0x32: {  	s10 =	sld [smem:$0x3FB6];
	_ =	sdelay $0x3  }
0x33: {  	p0 =	seq.s32 s10, $0x1;
	s10 =	sld [smem:$0x3FB8];
	_ =	sdelay $0x3  }
0x34: {  	[smem:$0x3FB8] =	sst s10  }
0x35: {  	s10 =	sld [smem:$0x3FB7];
	_ =	sdelay $0x3  }
0x36: {  	p1 =	seq.s32 s10, $0x1;
	s10 =	sld [smem:$0x3FB8];
	_ =	sdelay $0x3  }
0x37: {  	[smem:$0x3FB8] =	sst s10  }
0x38: {  	s10 =	sld [smem:$0x3FB9]  }
0x39: {  	_ = 	snop;
	(pc) =	sbr.ind lr, $3  }
0x3a: {  	_ = 	snop  }
0x3b: {  	_ = 	snop  }
0x3c: {  	p2 =	seq.s32 s10, $0x1;
	s10 =	sld [smem:$0x3FB8]  }
0x3d: {  	_ =	shalt  }
0x3e: {  	_ =	shalt  }
0x3f: {  	_ =	shalt  }
0x40: {  	_ =	shalt  }
0x41: {  	_ =	shalt  }
0x42: {  	_ =	shalt  }
0x43: {  	_ =	shalt  }
0x44: {  	_ =	shalt  }
0x45: {  	_ =	shalt  }
0x46: {  	_ =	shalt  }
0x47: {  	_ =	shalt  }
0x48: {  	_ =	shalt  }
0x49: {  	_ =	shalt  }
0x4a: {  	_ =	shalt  }
0x4b: {  	_ =	shalt  }
0x4c: {  	_ =	shalt  }
0x4d: {  	_ =	shalt  }
0x4e: {  	_ =	shalt  }
0x4f: {  	_ =	shalt  }
0x50: {  	_ =	shalt  }
0x51: {  	_ =	shalt  }
0x52: {  	_ =	shalt  }
0x53: {  	_ =	shalt  }
0x54: {  	_ =	shalt  }
0x55: {  	_ =	shalt  }
0x56: {  	_ =	shalt  }
0x57: {  	_ =	shalt  }
0x58: {  	_ =	shalt  }
0x59: {  	_ =	shalt  }
0x5a: {  	_ =	shalt  }
0x5b: {  	_ =	shalt  }
0x5c: {  	_ =	shalt  }
0x5d: {  	_ =	shalt  }
0x5e: {  	_ =	shalt  }
0x5f: {  	_ =	shalt  }
0x60: {  	_ =	shalt  }
0x61: {  	_ =	shalt  }
0x62: {  	_ =	shalt  }
0x63: {  	_ =	shalt  }
0x64: {  	_ =	shalt  }
0x65: {  	_ =	shalt  }
0x66: {  	_ =	shalt  }
0x67: {  	_ =	shalt  }
0x68: {  	_ =	shalt  }
0x69: {  	_ =	shalt  }
0x6a: {  	_ =	shalt  }
0x6b: {  	_ =	shalt  }
0x6c: {  	_ =	shalt  }
0x6d: {  	_ =	shalt  }
0x6e: {  	_ =	shalt  }
0x6f: {  	_ =	shalt  }
0x70: {  	_ =	shalt  }
0x71: {  	_ =	shalt  }
0x72: {  	_ =	shalt  }
0x73: {  	_ =	shalt  }
0x74: {  	_ =	shalt  }
0x75: {  	_ =	shalt  }
0x76: {  	_ =	shalt  }
0x77: {  	_ =	shalt  }
0x78: {  	_ =	shalt  }
0x79: {  	_ =	shalt  }
0x7a: {  	_ =	shalt  }
0x7b: {  	_ =	shalt  }
0x7c: {  	_ =	shalt  }
0x7d: {  	_ =	shalt  }
0x7e: {  	_ =	shalt  }
0x7f: {  	_ =	shalt  }
0x80: {  	_ =	shalt  }
0x81: {  	_ =	shalt  }
0x82: {  	_ =	shalt  }
0x83: {  	_ =	shalt  }
0x84: {  	_ =	shalt  }
0x85: {  	_ =	shalt  }
0x86: {  	_ =	shalt  }
0x87: {  	_ =	shalt  }
.Lfunc_end0:
.L_simem_size_0:
called_computation_lowered:
.L_overlay_start_0:
0x88: {  	s2 =	sld [smem:$0x3FD9]  }
0x89: {  	s3 =	sld [smem:$0x3FFE];
	_ =	sdelay $0x1  }
0x8a: {  	s1 =	srdreg.scid  }
0x8b: {  	s0 =	sand.u32 $0x1, s1  }
0x8c: {  	s17 =	sshll.u32 s0, $0xA;
	s2 =	sadd.s32 s3, s2  }
0x8d: {  	s2 =	sadd.s32 s2, s17  }
0x8e: {  	[smem:$0x3FC4] =	sst s2  }
0x8f: {  	_ = 	snop  }
0x90: {  	s2 =	sld [smem:$0x3FC9]  }
0x91: {  	s18 =	sld [smem:$0x3FC8]  }
0x92: {  	s4 =	sld [smem:$0x3FC7]  }
0x93: {  	s5 =	sld [smem:$0x3FD0];
	(tm) =	ssettm $0x1  }
0x94: {  	s6 =	sld [smem:$0x3FFB];
	_ =	sdelay $0x3  }
0x95: {  	_ =	strace s6  }
0x96: {  	s6 =	sld [smem:$0x3FFC];
	_ =	sdelay $0x3  }
0x97: {  	_ =	strace s6  }
0x98: {  	s6 =	sld [smem:$0x3FFD];
	_ =	sdelay $0x3  }
0x99: {  	_ =	strace s6  }
0x9a: {  	_ =	strace $0x8FFFFFFF  }
0x9b: {  	s19 =	sld [smem:$0x3FDB];
	_ =	sdelay $0x1  }
0x9c: {  	s7 =	simm.s32 $_scs_section_size  }
0x9d: {  	s8 =	simm.s32 $_size__tile_overlayer_lowered;
	s9 =	simm.s32 $_tile_overlayer_lowered  }
0x9e: {  	s22 =	simm.s32 $0x1BFF;
	s21 =	sshll.u32 s9, $0x1;
	s6 =	sadd.s32 s7, s19  }
0x9f: {  	s10 =	simm.s32 $0x0;
	s20 =	sshll.u32 s8, $0x1;
	s8 =	sadd.s32 s21, s6  }
0xa0: {  	[timem:s10], [sflag:s22] =	dma.local [hbm:s8], s20  }
0xa1: {  	_ =	swait.ge [sflag:s22], s20  }
0xa2: {  	s7 =	ssub.s32 $0x0, s20;
	[sflag:s22] =	ssyncset.done $0x0  }
0xa3: {  	[sflag:s22] =	ssyncadd.s32 s7;
	_ =	sdelay $0x1  }
0xa4: {  	s23 =	simm.s32 $0x1B8B  }
0xa5: {  	_ =	swait.ge [sflag:s23], $0x1  }
0xa6: {  	[sflag:s23] =	ssyncset.done $0x0  }
0xa7: {  	s25 =	simm.s32 $0x1B8E;
	s24 =	sld [smem:$0x3FFE];
	[sflag:s23] =	ssyncadd.s32 $0xFFFFFFFF  }
0xa8: {  	s26 =	simm.s32 $execute0_lowered;
	[smem:$0x3FD2] =	sst s25  }
0xa9: {  	s8 =	sshll.u32 s26, $0x1;
	_ =	strace $0x80000046;
	[dreg:$0x1] =	wrdreg $0xFFFFFFFF  }
0xaa: {  	s28 =	simm.s32 $_size_execute0_lowered;
	s6 =	sadd.s32 s6, s8;
	[dreg:$0x0] =	wrdreg $0x0  }
0xab: {  	s8 =	sshll.u32 s28, $0x1;
	[dreg:$0x2] =	wrdreg s6  }
0xac: {  	[dreg:$0x3] =	wrdreg s8  }
0xad: {  	[dreg:$0x4] =	wrdreg $0xC0  }
0xae: {  	_ =	task [dreg:s10], $0x5FFFF  }
0xaf: {  	[dreg:$0x1] =	wrdreg $0xFFFFFFFF  }
0xb0: {  	[dreg:$0x0] =	wrdreg $0x60  }
0xb1: {  	[dreg:$0x2] =	wrdreg s2  }
0xb2: {  	[dreg:$0x3] =	wrdreg s18  }
0xb3: {  	[dreg:$0x4] =	wrdreg s4  }
0xb4: {  	[dreg:$0x5] =	wrdreg s5  }
0xb5: {  	[dreg:$0x6] =	wrdreg s24  }
0xb6: {  	[dreg:$0x7] =	wrdreg $0x0  }
0xb7: {  	[dreg:$0x8] =	wrdreg $0x9  }
0xb8: {  	_ =	task.clear_ibuf [dreg:s10], $0x9FFFF;
	_ =	strace $0x90000046  }
0xb9: {  	s29 =	simm.s32 $0x9;
	_ =	strace $0x80000048  }
0xba: {  	_ =	swait.ge [sflag:s29], $0x1  }
0xbb: {  	[sflag:s29] =	ssyncadd.s32 $0xFFFFFFFF  }
0xbc: {  	_ =	strace $0x90000048  }
0xbd: {  	_ =	sfence  }
0xbe: {  	s30 =	sld [smem:$0x0];
	_ =	sdelay $0x2  }
0xbf: {  	s31 =	sshll.u32 s1, $0xD;
	s1 =	sshrl.u32 s1, $0x2  }
0xc0: {  	s3 =	sand.u32 $0x4000, s31;
	s1 =	sadd.s32 s1, s30  }
0xc1: {  	s0 =	sor.u32 s3, s0;
	s1 =	sshll.u32 s1, $0x11  }
0xc2: {  	s0 =	sor.u32 s1, s0  }
0xc3: {  	s0 =	sadd.s32 $0x8F2B, s0  }
0xc4: {  	[sflag:s0] =	ssyncadd.remote.s32 $0x1  }
0xc5: {  	_ =	sfence.sel $0xFFFF  }
0xc6: {  	[dreg:$0x0] =	wrdreg $0xFFFFFFFF;
	(pc) =	sbr.abs _section_cstart, $3  }
0xc7: {  	[dreg:$0x1] =	wrdreg $0xFFFFFFFF  }
0xc8: {  	_ =	task.clear_ibuf [dreg:s10], $0x2FFFF;
	_ =	strace $0x9FFFFFFF  }
0xc9: {  	(tm) =	ssettm $0x7FFFFFFF  }
tec
execute0_lowered:
.L_overlay_start_1:
0x0: {  	(tag) =	ssettag $0x1  }
0x1: {  	s0 =	rddreg [dreg:$0x0]  }
0x2: {  	s1 =	rddreg [dreg:$0x1]  }
0x3: {  	s7 =	rddreg [dreg:$0x2]  }
0x4: {  	s18 =	rddreg [dreg:$0x3]  }
0x5: {  	s2 =	srdreg.scid;
	s4 =	rddreg [dreg:$0x4]  }
0x6: {  	s9 =	stileid.u32;
	s22 =	simm.s32 $0x19C80;
	s23 =	simm.s32 $0x1  }
0x7: {  	s24 =	simm.s32 $0x2;
	s25 =	simm.s32 $0x80;
	s21 =	simm.s32 $0x3  }
0x8: {  	s26 =	simm.s32 $0x0;
	s15 =	sand.u32 $0x1, s2;
	s2 =	rddreg [dreg:$0x5]  }
0x9: {  	s16 =	smul.u32 $0x13880, s9;
	s17 =	sadd.s32 $0xE00, s4;
	s3 =	sshll.u32 s15, $0x4  }
0xa: {  	s6 =	ssub.s32 $0x2, s15;
	p0 =	seq.s32 s15, $0x1;
	s5 =	sor.u32 s9, s3  }
0xb: {  	s3 =	simm.s32 $0x0;
	s30 =	sshrl.u32 s6, $0x1;
	s31 =	sshrl.u32 s16, $0x3  }
0xc: {  	s18 =	smov.u32 @p0 s17;
	s8 =	smul.u32 $0x271, s5;
	[smem:$0x7FF] =	sst s3  }
0xd: {  	s19 =	ssub.s32 s6, s30;
	s6 =	sadd.s32 s16, s2;
	s18 =	sadd.s32 s18, s31  }
0xe: {  	_ =	strace $0x80000047;
	s9 =	sadd.s32 $0x3E80, s6;
	s10 =	sadd.s32 $0x5DC0, s6  }
0xf: {  	s11 =	sadd.s32 $0x7D00, s6;
	s12 =	sadd.s32 $0x9C40, s6;
	s13 =	sadd.s32 $0xBB80, s6  }
0x10: {  	s14 =	sadd.s32 $0xDAC0, s6;
	s15 =	sadd.s32 $0xFA00, s6;
	s16 =	sadd.s32 $0x11940, s6  }
0x11: {  	s17 =	smax.u32 s19, $0x1;
	s4 =	sadd.s32 s0, s8;
	s5 =	sadd.s32 s1, s8  }
0x12: {  	v0 =	vimm.f32 $0.0e+00;
	v1 =	vlaneseq.u32;
	s7 =	sadd.s32 s7, s8;
	s8 =	sadd.s32 $0x1F40, s6;
	s1 =	simm.s32 $0x4  }
.LBB2_1:
0x13: {  	s0 =	simm.s32 $0x13880  }
0x14: {  	[tilespmem:s0], [sflag:$0x1] =	stream.linear.gather [hbm4b:s4+s3], $0x1388, $0x38;
	[tilespmem:$0x1BC00] =	vst v63  }
0x15: {  	s30 =	simm.s32 $0x14C80  }
0x16: {  	[tilespmem:s30], [sflag:$0x1] =	stream.linear.gather [hbm4b:s5+s3], $0x1388, $0x38;
	[tilespmem:$0x1BC00] =	vst v63  }
0x17: {  	s31 =	simm.s32 $0x16080;
	s19 =	simm.s32 $0x100;
	s0 =	simm.s32 $0x0  }
0x18: {  	[tilespmem:s31], [sflag:$0x1] =	stream.linear.gather [hbm4b:s7+s3], $0x1388, $0x38;
	[tilespmem:$0x1BC00] =	vst v63  }
.LBB2_2:
0x19: {  	p0 =	sne.s32 s19, $0x7C00;
	[tilespmem:s0+$0x19CB0] =	vst v0;
	s20 =	smov.u32 s19;
	s19 =	sadd.s32 $0x100, s19  }
.Ltmp0:
0x1a: {  	[tilespmem:s0+$0x19CA0] =	vst v0;
	(pc) =	sbr.rel @p0 .LBB2_2-.Ltmp0, $3  }
0x1b: {  	[tilespmem:s0+$0x19C80] =	vst v0  }
0x1c: {  	[tilespmem:s0+$0x19C90] =	vst v0;
	_ =	sdelay $0x1  }
0x1d: {  	s0 =	sshra.s32 s20, $0x2  }
0x1e: {  	[tilespmem:s0+$0x19CB0] =	vst v0  }
0x1f: {  	[tilespmem:s0+$0x19CA0] =	vst v0  }
0x20: {  	[tilespmem:s0+$0x19C80] =	vst v0  }
0x21: {  	[tilespmem:s0+$0x19C90] =	vst v0  }
0x22: {  	[spmem:s6] =	stream.linear.scatter [tilespmem:s22], [sflag:$0x2], $0x1F40, $0x38;
	[tilespmem:$0x1BC00] =	vst v63  }
0x23: {  	_ = 	snop  }
0x24: {  	[spmem:s8] =	stream.linear.scatter [tilespmem:s22], [sflag:$0x2], $0x1F40, $0x38;
	[tilespmem:$0x1BC00] =	vst v63  }
0x25: {  	_ = 	snop  }
0x26: {  	[spmem:s9] =	stream.linear.scatter [tilespmem:s22], [sflag:$0x2], $0x1F40, $0x38;
	[tilespmem:$0x1BC00] =	vst v63  }
0x27: {  	_ = 	snop  }
0x28: {  	[spmem:s10] =	stream.linear.scatter [tilespmem:s22], [sflag:$0x2], $0x1F40, $0x38;
	[tilespmem:$0x1BC00] =	vst v63  }
0x29: {  	_ = 	snop  }
0x2a: {  	[spmem:s11] =	stream.linear.scatter [tilespmem:s22], [sflag:$0x2], $0x1F40, $0x38;
	[tilespmem:$0x1BC00] =	vst v63  }
0x2b: {  	_ = 	snop  }
0x2c: {  	[spmem:s12] =	stream.linear.scatter [tilespmem:s22], [sflag:$0x2], $0x1F40, $0x38;
	[tilespmem:$0x1BC00] =	vst v63  }
0x2d: {  	_ = 	snop  }
0x2e: {  	[spmem:s13] =	stream.linear.scatter [tilespmem:s22], [sflag:$0x2], $0x1F40, $0x38;
	[tilespmem:$0x1BC00] =	vst v63  }
0x2f: {  	_ = 	snop  }
0x30: {  	[spmem:s14] =	stream.linear.scatter [tilespmem:s22], [sflag:$0x2], $0x1F40, $0x38;
	[tilespmem:$0x1BC00] =	vst v63  }
0x31: {  	_ = 	snop  }
0x32: {  	[spmem:s15] =	stream.linear.scatter [tilespmem:s22], [sflag:$0x2], $0x1F40, $0x38;
	[tilespmem:$0x1BC00] =	vst v63  }
0x33: {  	_ = 	snop  }
0x34: {  	[spmem:s16] =	stream.linear.scatter [tilespmem:s22], [sflag:$0x2], $0x1F40, $0x38;
	[tilespmem:$0x1BC00] =	vst v63  }
0x35: {  	_ =	swait.ge [sflag:s23], $0x1388  }
0x36: {  	[sflag:s23] =	ssyncset.done $0x0  }
0x37: {  	[sflag:s23] =	ssyncadd.s32 $0xFFFFEC78  }
0x38: {  	_ =	swait.ge [sflag:s23], $0x1388  }
0x39: {  	[sflag:s23] =	ssyncset.done $0x0  }
0x3a: {  	[sflag:s23] =	ssyncadd.s32 $0xFFFFEC78  }
0x3b: {  	_ =	swait.ge [sflag:s23], $0x1388  }
0x3c: {  	[sflag:s23] =	ssyncset.done $0x0  }
0x3d: {  	s28 =	simm.s32 $0x70;
	[sflag:s23] =	ssyncadd.s32 $0xFFFFEC78  }
0x3e: {  	v2 =	vld [tilespmem:s28+$0x13880]  }
0x3f: {  	v3 =	vld [tilespmem:s28+$0x14C80]  }
0x40: {  	v4 =	vld [tilespmem:s28+$0x13810]  }
0x41: {  	v5 =	vld [tilespmem:s28+$0x13820]  }
0x42: {  	v6 =	vld [tilespmem:s28+$0x13830]  }
0x43: {  	v7 =	vld [tilespmem:s28+$0x13840]  }
0x44: {  	v8 =	vld [tilespmem:s28+$0x13850]  }
0x45: {  	v9 =	vld [tilespmem:s28+$0x13860];
	v2 =	vshll.u32 v2, $0x7  }
0x46: {  	v10 =	vld [tilespmem:s28+$0x13870];
	v2 =	vadd.s32 v3, v2  }
0x47: {  	[tilespmem:s28+$0x17480] =	vst v2;
	v2 =	vld [tilespmem:s28+$0x14C10]  }
0x48: {  	v14 =	vld [tilespmem:s28+$0x16010]  }
0x49: {  	v3 =	vld [tilespmem:s28+$0x14C20]  }
0x4a: {  	v11 =	vld [tilespmem:s28+$0x14C30]  }
0x4b: {  	v12 =	vld [tilespmem:s28+$0x14C40];
	v4 =	vshll.u32 v4, $0x7  }
0x4c: {  	v13 =	vld [tilespmem:s28+$0x14C50];
	v2 =	vadd.s32 v2, v4  }
0x4d: {  	v4 =	vld [tilespmem:s28+$0x14C60];
	[tilespmem:s28+$0x17410] =	vst v2;
	v2 =	vshll.u32 v5, $0x7  }
0x4e: {  	[tilespmem:s28+$0x18810] =	vst v14;
	v5 =	vld [tilespmem:s28+$0x14C70];
	v2 =	vadd.s32 v3, v2;
	v3 =	vshll.u32 v6, $0x7  }
0x4f: {  	v63 =	vld [tilespmem:s28+$0x16020];
	[tilespmem:s28+$0x17420] =	vst v2;
	v2 =	vadd.s32 v11, v3;
	v3 =	vshll.u32 v7, $0x7  }
0x50: {  	v6 =	vshll.u32 v8, $0x7;
	[tilespmem:s28+$0x17430] =	vst v2;
	v3 =	vadd.s32 v12, v3;
	v2 =	vld [tilespmem:s28+$0x16030]  }
0x51: {  	v6 =	vadd.s32 v13, v6;
	v7 =	vshll.u32 v9, $0x7;
	[tilespmem:s28+$0x17440] =	vst v3;
	v3 =	vld [tilespmem:s28+$0x16040]  }
0x52: {  	[tilespmem:s28+$0x17450] =	vst v6;
	v6 =	vadd.s32 v4, v7;
	v4 =	vld [tilespmem:s28+$0x16050];
	v7 =	vshll.u32 v10, $0x7  }
0x53: {  	[tilespmem:s28+$0x17460] =	vst v6;
	v6 =	vadd.s32 v5, v7;
	v5 =	vld [tilespmem:s28+$0x16060]  }
0x54: {  	[tilespmem:s28+$0x18820] =	vst v63;
	v7 =	vld [tilespmem:s28+$0x16080]  }
0x55: {  	s29 =	simm.s32 $0xF0;
	s30 =	simm.s32 $0x5C0;
	[tilespmem:s28+$0x17470] =	vst v6;
	v6 =	vld [tilespmem:s28+$0x16070]  }
.LBB2_4:
0x56: {  	p0 =	sne.s32 s30, $0x4DC0;
	v8 =	vld [tilespmem:s29+$0x13880];
	[tilespmem:s28+$0x18830] =	vst v2  }
0x57: {  	v2 =	vld [tilespmem:s29+$0x14C80];
	[tilespmem:s28+$0x18840] =	vst v3  }
0x58: {  	v3 =	vld [tilespmem:s29+$0x13810];
	[tilespmem:s28+$0x18850] =	vst v4  }
0x59: {  	v4 =	vld [tilespmem:s29+$0x13820];
	[tilespmem:s28+$0x18860] =	vst v5  }
0x5a: {  	v5 =	vld [tilespmem:s29+$0x13830];
	[tilespmem:s28+$0x18870] =	vst v6  }
0x5b: {  	v6 =	vld [tilespmem:s29+$0x13840];
	v8 =	vshll.u32 v8, $0x7;
	[tilespmem:s28+$0x18880] =	vst v7;
	s28 =	smov.u32 s29  }
0x5c: {  	v7 =	vld [tilespmem:s28+$0x13850];
	v2 =	vadd.s32 v2, v8  }
0x5d: {  	v3 =	vshll.u32 v3, $0x7;
	v8 =	vld [tilespmem:s28+$0x13860];
	[tilespmem:s28+$0x17480] =	vst v2  }
0x5e: {  	v2 =	vshll.u32 v4, $0x7;
	v4 =	vld [tilespmem:s28+$0x13870]  }
0x5f: {  	v9 =	vld [tilespmem:s28+$0x14C10];
	v5 =	vshll.u32 v5, $0x7  }
0x60: {  	v10 =	vld [tilespmem:s28+$0x14C20];
	v6 =	vshll.u32 v6, $0x7  }
0x61: {  	v11 =	vld [tilespmem:s28+$0x14C30];
	v7 =	vshll.u32 v7, $0x7  }
0x62: {  	v12 =	vld [tilespmem:s28+$0x14C40];
	v8 =	vshll.u32 v8, $0x7  }
0x63: {  	v13 =	vld [tilespmem:s28+$0x14C50];
	v14 =	vshll.u32 v4, $0x7  }
0x64: {  	v3 =	vadd.s32 v9, v3;
	v4 =	vld [tilespmem:s28+$0x14C60]  }
0x65: {  	[tilespmem:s28+$0x17410] =	vst v3;
	v2 =	vadd.s32 v10, v2;
	v9 =	vld [tilespmem:s28+$0x14C70]  }
0x66: {  	v10 =	vld [tilespmem:s28+$0x16010];
	[tilespmem:s28+$0x17420] =	vst v2;
	v2 =	vadd.s32 v11, v5  }
0x67: {  	v11 =	vld [tilespmem:s28+$0x16020];
	[tilespmem:s28+$0x17430] =	vst v2;
	v3 =	vadd.s32 v12, v6  }
0x68: {  	v2 =	vld [tilespmem:s28+$0x16030];
	[tilespmem:s28+$0x17440] =	vst v3;
	v5 =	vadd.s32 v13, v7  }
.Ltmp1:
0x69: {  	v3 =	vld [tilespmem:s28+$0x16040];
	[tilespmem:s28+$0x17450] =	vst v5;
	v5 =	vadd.s32 v4, v8;
	(pc) =	sbr.rel @p0 .LBB2_4-.Ltmp1, $4  }
0x6a: {  	v4 =	vld [tilespmem:s28+$0x16050];
	[tilespmem:s28+$0x17460] =	vst v5;
	v6 =	vadd.s32 v9, v14  }
0x6b: {  	v5 =	vld [tilespmem:s28+$0x16060];
	[tilespmem:s28+$0x17470] =	vst v6  }
0x6c: {  	[tilespmem:s28+$0x18810] =	vst v10;
	v6 =	vld [tilespmem:s28+$0x16070]  }
0x6d: {  	s29 =	sshra.s32 s30, $0x2;
	s30 =	sadd.s32 $0x200, s30;
	[tilespmem:s28+$0x18820] =	vst v11;
	v7 =	vld [tilespmem:s28+$0x16080]  }
0x6e: {  	v8 =	vld [tilespmem:s29+$0x13880];
	[tilespmem:s28+$0x18830] =	vst v2  }
0x6f: {  	v2 =	vld [tilespmem:s29+$0x14C80];
	[tilespmem:s28+$0x18840] =	vst v3  }
0x70: {  	v3 =	vld [tilespmem:s29+$0x13810];
	[tilespmem:s28+$0x18850] =	vst v4  }
0x71: {  	v4 =	vld [tilespmem:s29+$0x13820];
	[tilespmem:s28+$0x18860] =	vst v5  }
0x72: {  	v5 =	vld [tilespmem:s29+$0x13830];
	[tilespmem:s28+$0x18870] =	vst v6  }
0x73: {  	v6 =	vld [tilespmem:s29+$0x13840];
	[tilespmem:s28+$0x18880] =	vst v7  }
0x74: {  	v57 =	vld [tilespmem:s29+$0x13850]  }
0x75: {  	v58 =	vld [tilespmem:s29+$0x13860]  }
0x76: {  	v9 =	vld [tilespmem:s29+$0x14C10]  }
0x77: {  	v10 =	vld [tilespmem:s29+$0x14C20]  }
0x78: {  	v11 =	vld [tilespmem:s29+$0x14C30]  }
0x79: {  	v60 =	vld [tilespmem:s29+$0x16010]  }
0x7a: {  	v61 =	vld [tilespmem:s29+$0x16030]  }
0x7b: {  	v56 =	vshll.u32 v8, $0x7;
	v12 =	vld [tilespmem:s29+$0x14C40]  }
0x7c: {  	v2 =	vadd.s32 v2, v56;
	v62 =	vld [tilespmem:s29+$0x16040]  }
0x7d: {  	v13 =	vld [tilespmem:s29+$0x14C50];
	[tilespmem:s29+$0x17480] =	vst v2  }
0x7e: {  	v59 =	vld [tilespmem:s29+$0x14C60];
	v3 =	vshll.u32 v3, $0x7;
	[tilespmem:s29+$0x18810] =	vst v60  }
0x7f: {  	v2 =	vld [tilespmem:s29+$0x13870];
	v3 =	vadd.s32 v9, v3;
	[tilespmem:s29+$0x18830] =	vst v61  }
0x80: {  	[tilespmem:s29+$0x17410] =	vst v3;
	v3 =	vshll.u32 v4, $0x7;
	v4 =	vld [tilespmem:s29+$0x14C70]  }
0x81: {  	v5 =	vshll.u32 v5, $0x7;
	[tilespmem:s29+$0x18840] =	vst v62;
	v3 =	vadd.s32 v10, v3  }
0x82: {  	v6 =	vshll.u32 v6, $0x7;
	[tilespmem:s29+$0x17420] =	vst v3;
	v3 =	vadd.s32 v11, v5  }
0x83: {  	v63 =	vld [tilespmem:s29+$0x16050];
	v8 =	vshll.u32 v57, $0x7;
	[tilespmem:s29+$0x17430] =	vst v3;
	v3 =	vadd.s32 v12, v6  }
0x84: {  	v7 =	vshll.u32 v58, $0x7;
	v2 =	vshll.u32 v2, $0x7;
	v5 =	vld [tilespmem:s29+$0x16020];
	[tilespmem:s29+$0x17440] =	vst v3;
	v3 =	vadd.s32 v13, v8  }
0x85: {  	[tilespmem:s29+$0x17450] =	vst v3;
	v3 =	vadd.s32 v59, v7;
	v2 =	vadd.s32 v4, v2;
	v4 =	vld [tilespmem:s29+$0x16080]  }
0x86: {  	[tilespmem:s29+$0x17460] =	vst v3;
	v3 =	vld [tilespmem:s29+$0x16060]  }
0x87: {  	[tilespmem:s29+$0x17470] =	vst v2;
	v2 =	vld [tilespmem:s29+$0x16070]  }
0x88: {  	[tilespmem:s29+$0x18850] =	vst v63  }
0x89: {  	[tilespmem:s29+$0x18820] =	vst v5  }
0x8a: {  	[tilespmem:s29+$0x18880] =	vst v4  }
0x8b: {  	[tilespmem:s29+$0x18860] =	vst v3  }
0x8c: {  	s0 =	simm.s32 $0x14C00;
	[tilespmem:s29+$0x18870] =	vst v2  }
0x8d: {  	s19 =	simm.s32 $0x16000;
	v2 =	vld [tilespmem:s0+$0x0]  }
0x8e: {  	v3 =	vld [tilespmem:s19+$0x0]  }
0x8f: {  	s29 =	simm.s32 $0x17400  }
0x90: {  	v4 =	vld [tilespmem:s29+$0x0]  }
0x91: {  	s20 =	simm.s32 $0x0  }
0x92: {  	v5 =	vor.u32 s20, v1;
	v2 =	vshll.u32 v2, $0x7  }
0x93: {  	vm0 =	vlt.u32 v5, $0x8;
	v2 =	vadd.s32 v3, v2  }
0x94: {  	s30 =	simm.s32 $0x18800;
	v2 =	vnsel vm0, $0x0, v2  }
0x95: {  	s28 =	simm.s32 $0x19C00;
	[tilespmem:s30+$0x0] =	vst v2;
	v2 =	vnsel vm0, $0x0, v4  }
0x96: {  	s31 =	simm.s32 $0x14C10;
	[tilespmem:s28+$0x0] =	vst v2  }
0x97: {  	s19 =	simm.s32 $0x16010;
	v2 =	vld [tilespmem:s31+$0x0]  }
0x98: {  	s20 =	simm.s32 $0x20;
	s0 =	simm.s32 $0x10;
	v3 =	vld [tilespmem:s19+$0x0]  }
.LBB2_6:
0x99: {  	p0 =	sne.s32 s20, $0x70;
	s29 =	sadd.s32 $0x10, s29  }
0x9a: {  	v4 =	vld [tilespmem:s29+$0x0];
	_ =	sdelay $0x1  }
0x9b: {  	v5 =	vor.u32 s0, v1;
	s0 =	smov.u32 s20;
	v2 =	vshll.u32 v2, $0x7  }
0x9c: {  	vm0 =	vlt.u32 v5, $0x8;
	v2 =	vadd.s32 v3, v2  }
.Ltmp2:
0x9d: {  	s30 =	sadd.s32 $0x10, s30;
	v2 =	vnsel vm0, $0x0, v2;
	(pc) =	sbr.rel @p0 .LBB2_6-.Ltmp2, $4  }
0x9e: {  	s28 =	sadd.s32 $0x10, s28;
	[tilespmem:s30+$0x0] =	vst v2;
	v2 =	vnsel vm0, $0x0, v4  }
0x9f: {  	s31 =	sadd.s32 $0x10, s31;
	[tilespmem:s28+$0x0] =	vst v2  }
0xa0: {  	s19 =	sadd.s32 $0x10, s19;
	v2 =	vld [tilespmem:s31+$0x0]  }
0xa1: {  	s20 =	sadd.s32 $0x10, s20;
	v3 =	vld [tilespmem:s19+$0x0]  }
0xa2: {  	s19 =	sadd.s32 $0x10, s29  }
0xa3: {  	v4 =	vld [tilespmem:s19+$0x0];
	_ =	sdelay $0x1  }
0xa4: {  	v5 =	vor.u32 s0, v1;
	v2 =	vshll.u32 v2, $0x7  }
0xa5: {  	vm0 =	vlt.u32 v5, $0x8;
	v2 =	vadd.s32 v3, v2  }
0xa6: {  	s19 =	sadd.s32 $0x10, s30;
	v2 =	vnsel vm0, $0x0, v2  }
0xa7: {  	s20 =	sadd.s32 $0x10, s28;
	[tilespmem:s19+$0x0] =	vst v2;
	v2 =	vnsel vm0, $0x0, v4  }
0xa8: {  	[tilespmem:s20+$0x0] =	vst v2  }
0xa9: {  	_ =	swait.ge [sflag:s24], $0x1F40  }
0xaa: {  	[sflag:s24] =	ssyncset.done $0x0  }
0xab: {  	[sflag:s24] =	ssyncadd.s32 $0xFFFFE0C0  }
0xac: {  	_ =	swait.ge [sflag:s24], $0x1F40  }
0xad: {  	[sflag:s24] =	ssyncset.done $0x0  }
0xae: {  	[sflag:s24] =	ssyncadd.s32 $0xFFFFE0C0  }
0xaf: {  	_ =	swait.ge [sflag:s24], $0x1F40  }
0xb0: {  	[sflag:s24] =	ssyncset.done $0x0  }
0xb1: {  	[sflag:s24] =	ssyncadd.s32 $0xFFFFE0C0  }
0xb2: {  	_ =	swait.ge [sflag:s24], $0x1F40  }
0xb3: {  	[sflag:s24] =	ssyncset.done $0x0  }
0xb4: {  	[sflag:s24] =	ssyncadd.s32 $0xFFFFE0C0  }
0xb5: {  	_ =	swait.ge [sflag:s24], $0x1F40  }
0xb6: {  	[sflag:s24] =	ssyncset.done $0x0  }
0xb7: {  	[sflag:s24] =	ssyncadd.s32 $0xFFFFE0C0  }
0xb8: {  	_ =	swait.ge [sflag:s24], $0x1F40  }
0xb9: {  	[sflag:s24] =	ssyncset.done $0x0  }
0xba: {  	[sflag:s24] =	ssyncadd.s32 $0xFFFFE0C0  }
0xbb: {  	_ =	swait.ge [sflag:s24], $0x1F40  }
0xbc: {  	[sflag:s24] =	ssyncset.done $0x0  }
0xbd: {  	[sflag:s24] =	ssyncadd.s32 $0xFFFFE0C0  }
0xbe: {  	_ =	swait.ge [sflag:s24], $0x1F40  }
0xbf: {  	[sflag:s24] =	ssyncset.done $0x0  }
0xc0: {  	[sflag:s24] =	ssyncadd.s32 $0xFFFFE0C0  }
0xc1: {  	_ =	swait.ge [sflag:s24], $0x1F40  }
0xc2: {  	[sflag:s24] =	ssyncset.done $0x0  }
0xc3: {  	[sflag:s24] =	ssyncadd.s32 $0xFFFFE0C0  }
0xc4: {  	_ =	swait.ge [sflag:s24], $0x1F40  }
0xc5: {  	[sflag:s24] =	ssyncset.done $0x0  }
0xc6: {  	[sflag:s24] =	ssyncadd.s32 $0xFFFFE0C0  }
0xc7: {  	s28 =	simm.s32 $0x17480;
	s29 =	simm.s32 $0x18880;
	[bflag:$0x0] =	sbarrier.arrive $0xFFFF  }
0xc8: {  	[spmem:s2] =	stream.indirect.scatter.add.f32 [tilespmem:s29], [sflag:$0x3], $0x1, s28, s25, $0xb8;
	[tilespmem:$0x1BC00] =	vst v63  }
0xc9: {  	s31 =	simm.s32 $0x18900;
	s30 =	simm.s32 $0x17500  }
0xca: {  	[spmem:s2] =	stream.indirect.scatter.add.f32 [tilespmem:s31], [sflag:$0x3], $0x1, s30, s25, $0xb8;
	[tilespmem:$0x1BC00] =	vst v63  }
0xcb: {  	s19 =	simm.s32 $0x17580;
	s20 =	simm.s32 $0x18980  }
0xcc: {  	[spmem:s2] =	stream.indirect.scatter.add.f32 [tilespmem:s20], [sflag:$0x3], $0x1, s19, s25, $0xb8;
	[tilespmem:$0x1BC00] =	vst v63  }
0xcd: {  	s28 =	simm.s32 $0x17600;
	s29 =	simm.s32 $0x18A00  }
0xce: {  	[spmem:s2] =	stream.indirect.scatter.add.f32 [tilespmem:s29], [sflag:$0x3], $0x1, s28, s25, $0xb8;
	[tilespmem:$0x1BC00] =	vst v63  }
0xcf: {  	s30 =	simm.s32 $0x18A80;
	s31 =	simm.s32 $0x17680  }
0xd0: {  	[spmem:s2] =	stream.indirect.scatter.add.f32 [tilespmem:s30], [sflag:$0x3], $0x1, s31, s25, $0xb8;
	[tilespmem:$0x1BC00] =	vst v63  }
0xd1: {  	s0 =	simm.s32 $0xA00;
	_ =	swait.ge [sflag:s21], $0x80  }
.LBB2_8:
0xd2: {  	s19 =	sshra.s32 s0, $0x2  }
0xd3: {  	[sflag:s21] =	ssyncset.done $0x0;
	p0 =	sne.s32 s0, $0x4E00;
	s20 =	sadd.s32 $0x18880, s19  }
.Ltmp3:
0xd4: {  	s19 =	sadd.s32 $0x17480, s19;
	[sflag:s21] =	ssyncadd.s32 $0xFFFFFF80;
	(pc) =	sbr.rel @p0 .LBB2_8-.Ltmp3, $3  }
0xd5: {  	[spmem:s2] =	stream.indirect.scatter.add.f32 [tilespmem:s20], [sflag:$0x3], $0x1, s19, s25, $0xb8;
	[tilespmem:$0x1BC00] =	vst v63  }
0xd6: {  	s0 =	sadd.s32 $0x200, s0;
	_ =	sdelay $0x1  }
0xd7: {  	_ =	swait.ge [sflag:s21], $0x80  }
0xd8: {  	[sflag:s21] =	ssyncset.done $0x0  }
0xd9: {  	[sflag:s21] =	ssyncadd.s32 $0xFFFFFF80  }
0xda: {  	_ =	swait.ge [sflag:s21], $0x80  }
0xdb: {  	[sflag:s21] =	ssyncset.done $0x0  }
0xdc: {  	[sflag:s21] =	ssyncadd.s32 $0xFFFFFF80  }
0xdd: {  	_ =	swait.ge [sflag:s21], $0x80  }
0xde: {  	[sflag:s21] =	ssyncset.done $0x0  }
0xdf: {  	[sflag:s21] =	ssyncadd.s32 $0xFFFFFF80  }
0xe0: {  	_ =	swait.ge [sflag:s21], $0x80  }
0xe1: {  	[sflag:s21] =	ssyncset.done $0x0  }
0xe2: {  	[sflag:s21] =	ssyncadd.s32 $0xFFFFFF80  }
0xe3: {  	s0 =	stileid.u32;
	_ =	swait.ge [sflag:s21], $0x80  }
0xe4: {  	s19 =	sshrl.u32 s6, $0x3;
	s26 =	sadd.s32 $0x1, s26;
	[sflag:s21] =	ssyncset.done $0x0  }
0xe5: {  	s0 =	sshll.u32 s0, $0x6;
	p0 =	sne.s32 s26, s17;
	[sflag:s21] =	ssyncadd.s32 $0xFFFFFF80  }
.Ltmp4:
0xe6: {  	s0 =	sor.u32 $0x1C04, s0;
	[bflag:$0x0] =	sbarrier.arrive $0xFFFF;
	(pc) =	sbr.rel @p0 .LBB2_1-.Ltmp4, $4  }
0xe7: {  	[hbm:s18], [sflag:s0] =	dma.local [spmem:s19], $0x2710  }
0xe8: {  	_ =	swait.ge [sflag:s1], $0x2710  }
0xe9: {  	[sflag:s1] =	ssyncset.done $0x0  }
0xea: {  	[sflag:s1] =	ssyncadd.s32 $0xFFFFD8F0  }
0xeb: {  	_ =	sfence.sel $0x180000  }
0xec: {  	[bflag:$0x0] =	sbarrier.arrive $0xFFFF  }
0xed: {  	_ =	strace $0x90000047  }
0xee: {  	s0 =	stileid.u32;
	[bflag:$0x2] =	sbarrier.arrive $0xFFFF  }
0xef: {  	p0 =	sne.s32 s0, $0x0;
	s0 =	rddreg [dreg:$0x6]  }
0xf0: {  	s0 =	sadd.s32 @!p0 $0x100000, s0  }
0xf1: {  	[sflag:s0] =	ssyncadd.tile.s32 @!p0 $0x1;
	_ =	shalt  }
.Lfunc_end2:
_tile_overlayer_lowered:
.L_overlay_start_2:
0xf2: {  	(tag) =	ssettag $0x2  }
0xf3: {  	s0 =	rddreg [dreg:$0x0];
	s2 =	stileid.u32  }
0xf4: {  	s1 =	rddreg [dreg:$0x1];
	p0 =	sne.s32 s2, $0x0  }
0xf5: {  	s3 =	rddreg [dreg:$0x2];
	[bflag:$0x3] =	sbarrier.arrive $0xFFFF;
	s2 =	simm.s32 @!p0 $0x1C04  }
0xf6: {  	[timem:s3], [sflag:s2] =	dma.local @!p0 [hbm:s0], s1  }
0xf7: {  	s0 =	simm.s32 @!p0 $0x4  }
0xf8: {  	_ =	swait.ge @!p0 [sflag:s0], s1  }
0xf9: {  	s1 =	ssub.s32 @!p0 $0x0, s1;
	[sflag:s0] =	ssyncset.done @!p0 $0x0  }
0xfa: {  	[sflag:s0] =	ssyncadd.s32 @!p0 s1  }
0xfb: {  	[bflag:$0x3] =	sbarrier.arrive $0xFFFF  }
0xfc: {  	_ =	shalt  }

</sc_bundles>
